<compile_context>
chip_gen: v7x
topology: tpu7x:2x2x1
jax: 0.10.2.dev20260603
libtpu: 0.0.44.dev20260713+nightly
codegen_flags: <defaults>
</compile_context>

<pallas_src>
import functools

import jax
import jax.numpy as jnp
from jax import lax
from jax.experimental import pallas as pl
from jax.experimental.pallas import tpu as pltpu
from jax.experimental.pallas import tpu_sc as plsc

_NC = 2
_NS = 16
_NW = _NC * _NS
_L = 16
_CH = 2
_NSLOT = 4
_LOOK = max(1, _NSLOT - 2)


def kernel(inputs, pos_table):
    B, S, D = inputs.shape
    rows_per_w = S // _NW
    chunks = rows_per_w // _CH
    mesh = plsc.VectorSubcoreMesh(core_axis_name="c", subcore_axis_name="s")

    @functools.partial(
        pl.kernel,
        out_type=jax.ShapeDtypeStruct((B, S, D), jnp.float32),
        mesh=mesh,
        scratch_types=(
            [pltpu.VMEM((_CH, D), jnp.float32) for _ in range(3 * _NSLOT)]
            + [pltpu.SemaphoreType.DMA for _ in range(2 * _NSLOT)]
        ),
    )
    def k(in_hbm, pos_hbm, out_hbm, *scr):
        pv = scr[0:_NSLOT]
        x0 = scr[_NSLOT:2 * _NSLOT]
        x1 = scr[2 * _NSLOT:3 * _NSLOT]
        isem = scr[3 * _NSLOT:4 * _NSLOT]
        osem = scr[4 * _NSLOT:5 * _NSLOT]

        wid = lax.axis_index("s") * _NC + lax.axis_index("c")
        rbase = wid * rows_per_w

        def fire_in(i, sl):
            r0 = rbase + i * _CH
            pltpu.async_copy(pos_hbm.at[pl.ds(r0, _CH)], pv[sl], isem[sl])
            pltpu.async_copy(in_hbm.at[0, pl.ds(r0, _CH)], x0[sl], isem[sl])
            pltpu.async_copy(in_hbm.at[1, pl.ds(r0, _CH)], x1[sl], isem[sl])

        def drain_in(sl):
            pltpu.make_async_copy(pos_hbm.at[pl.ds(0, _CH)], pv[sl], isem[sl]).wait()
            pltpu.make_async_copy(pos_hbm.at[pl.ds(0, _CH)], x0[sl], isem[sl]).wait()
            pltpu.make_async_copy(pos_hbm.at[pl.ds(0, _CH)], x1[sl], isem[sl]).wait()

        def fire_out(i, sl):
            r0 = rbase + i * _CH
            pltpu.async_copy(x0[sl], out_hbm.at[0, pl.ds(r0, _CH)], osem[sl])
            pltpu.async_copy(x1[sl], out_hbm.at[1, pl.ds(r0, _CH)], osem[sl])

        def drain_out(sl):
            pltpu.make_async_copy(x0[sl], out_hbm.at[0, pl.ds(0, _CH)], osem[sl]).wait()
            pltpu.make_async_copy(x1[sl], out_hbm.at[1, pl.ds(0, _CH)], osem[sl]).wait()

        def compute(sl):
            xa, xb, pp = x0[sl], x1[sl], pv[sl]
            for r in range(_CH):
                @plsc.parallel_loop(0, D, _L, unroll=4)
                def _body(j, r=r):
                    pj = pp[r, pl.ds(j, _L)]
                    xa[r, pl.ds(j, _L)] = xa[r, pl.ds(j, _L)] + pj
                    xb[r, pl.ds(j, _L)] = xb[r, pl.ds(j, _L)] + pj

        for t in range(_LOOK):
            fire_in(t, t % _NSLOT)

        def step(g, carry):
            for sl in range(_NSLOT):
                i = g * _NSLOT + sl
                nsl = (sl + _LOOK) % _NSLOT

                @pl.when(i + _LOOK < chunks)
                def _fire():
                    @pl.when(i + _LOOK >= _NSLOT)
                    def _drain():
                        drain_out(nsl)
                    fire_in(i + _LOOK, nsl)

                drain_in(sl)
                compute(sl)
                fire_out(i, sl)
            return carry

        lax.fori_loop(0, chunks // _NSLOT, step, 0)
        for sl in range(_NSLOT):
            drain_out(sl)

    return k(inputs, pos_table)

# --- scband reference (transcript-rebuilt; emitter-appended) ---
"""Pipeline reference for scband-position-embedding-fixed-weights-90254442758811 (READ-ONLY COPY).

The authoritative reference and input builder live on the scoring server;
editing this copy changes nothing except your own understanding.
"""

import jax, jax.numpy as jnp
import numpy as np

SEQ_LEN = 4096
D_MODEL = 4096
BATCH = 2

def _pos_encoding(seq_len, d, n=10000):
    k = np.arange(seq_len, dtype=np.float64)[:, None]
    i = np.arange(d // 2, dtype=np.float64)[None, :]
    denom = np.power(float(n), 2.0 * i / d)
    P = np.zeros((seq_len, d), dtype=np.float32)
    P[:, 0::2] = np.sin(k / denom).astype(np.float32)
    P[:, 1::2] = np.cos(k / denom).astype(np.float32)
    return P

def setup_inputs(seed: int = 0) -> dict:
    key = jax.random.key(seed)
    inputs = jax.random.normal(key, (BATCH, SEQ_LEN, D_MODEL), dtype=jnp.float32)
    pos_table = jnp.asarray(_pos_encoding(SEQ_LEN, D_MODEL))
    return {"inputs": inputs, "pos_table": pos_table}

def reference(inputs, pos_table):
    seq_len = inputs.shape[1]
    position_indices = jnp.arange(seq_len)
    embedded_indices = jnp.take(pos_table, position_indices, axis=0)
    return inputs + embedded_indices

if __name__ == "__main__":
    import jax
    _d = setup_inputs()
    print(jax.jit(kernel)(*tuple(_d.values())))

</pallas_src>

<mosaic_0001>
#map = affine_map<(d0, d1) -> (0, 0, 0)>
#map1 = affine_map<(d0, d1) -> (0, 0)>
module attributes {stable_mosaic.version = 14 : i64} {
  func.func @k(%arg0: i32, %arg1: i32, %arg2: memref<2x4096x4096xf32, #tpu.memory_space<hbm>>, %arg3: memref<4096x4096xf32, #tpu.memory_space<hbm>>, %arg4: memref<2x4096x4096xf32, #tpu.memory_space<hbm>>, %arg5: memref<2x4096xf32, #tpu.memory_space<vmem>>, %arg6: memref<2x4096xf32, #tpu.memory_space<vmem>>, %arg7: memref<2x4096xf32, #tpu.memory_space<vmem>>, %arg8: memref<2x4096xf32, #tpu.memory_space<vmem>>, %arg9: memref<2x4096xf32, #tpu.memory_space<vmem>>, %arg10: memref<2x4096xf32, #tpu.memory_space<vmem>>, %arg11: memref<2x4096xf32, #tpu.memory_space<vmem>>, %arg12: memref<2x4096xf32, #tpu.memory_space<vmem>>, %arg13: memref<2x4096xf32, #tpu.memory_space<vmem>>, %arg14: memref<2x4096xf32, #tpu.memory_space<vmem>>, %arg15: memref<2x4096xf32, #tpu.memory_space<vmem>>, %arg16: memref<2x4096xf32, #tpu.memory_space<vmem>>, %arg17: memref<!tpu.dma_semaphore, #tpu.memory_space<semaphore_mem>>, %arg18: memref<!tpu.dma_semaphore, #tpu.memory_space<semaphore_mem>>, %arg19: memref<!tpu.dma_semaphore, #tpu.memory_space<semaphore_mem>>, %arg20: memref<!tpu.dma_semaphore, #tpu.memory_space<semaphore_mem>>, %arg21: memref<!tpu.dma_semaphore, #tpu.memory_space<semaphore_mem>>, %arg22: memref<!tpu.dma_semaphore, #tpu.memory_space<semaphore_mem>>, %arg23: memref<!tpu.dma_semaphore, #tpu.memory_space<semaphore_mem>>, %arg24: memref<!tpu.dma_semaphore, #tpu.memory_space<semaphore_mem>>) attributes {dimension_semantics = [#tpu.dimension_semantics<core_parallel>, #tpu.dimension_semantics<subcore_parallel>], iteration_bounds = array<i64: 2, 16>, scalar_prefetch = 0 : i64, scratch_operands = 20 : i64, tpu.core_type = #tpu.core_type<sc_vector_subcore>, window_params = [{transform_indices = #map}, {transform_indices = #map1}, {transform_indices = #map}]} {
    %mul3A = arith.constant 2 : i32
    %mul3A_0 = arith.muli %arg1, %mul3A : i32
    %add3A = arith.addi %mul3A_0, %arg0 : i32
    %mul3A_1 = arith.constant 128 : i32
    %mul3A_2 = arith.muli %add3A, %mul3A_1 : i32
    %add3A_3 = arith.constant 0 : i32
    %add3A_4 = arith.addi %mul3A_2, %add3A_3 : i32
    %dma_start3A = arith.constant 0 : i32
    %dma_start3A_5 = tpu.memref_slice %arg3[%add3A_4, %dma_start3A] : memref<4096x4096xf32, #tpu.memory_space<hbm>> -> memref<2x4096xf32, #tpu.memory_space<hbm>>
    %dma_start3A_6 = arith.constant 0 : i32
    %dma_start3A_7 = tpu.memref_slice %arg3[%add3A_4, %dma_start3A_6] : memref<4096x4096xf32, #tpu.memory_space<hbm>> -> memref<2x4096xf32, #tpu.memory_space<hbm>>
    tpu.enqueue_dma source(%dma_start3A_7 : memref<2x4096xf32, #tpu.memory_space<hbm>>) target(%arg5 : memref<2x4096xf32, #tpu.memory_space<vmem>>) target_semaphore(%arg17 : memref<!tpu.dma_semaphore, #tpu.memory_space<semaphore_mem>>)
    %dma_start3A_8 = arith.constant 0 : i32
    %dma_start3A_9 = arith.constant 0 : i32
    %dma_start3A_10 = tpu.memref_slice %arg2[%dma_start3A_8, %add3A_4, %dma_start3A_9] : memref<2x4096x4096xf32, #tpu.memory_space<hbm>> -> memref<1x2x4096xf32, #tpu.memory_space<hbm>>
    %dma_start3A_11 = tpu.memref_squeeze %dma_start3A_10 : memref<1x2x4096xf32, #tpu.memory_space<hbm>> -> memref<2x4096xf32, #tpu.memory_space<hbm>>
    %dma_start3A_12 = arith.constant 0 : i32
    %dma_start3A_13 = tpu.memref_slice %arg2[%dma_start3A_8, %add3A_4, %dma_start3A_12] : memref<2x4096x4096xf32, #tpu.memory_space<hbm>> -> memref<1x2x4096xf32, #tpu.memory_space<hbm>>
    %dma_start3A_14 = tpu.memref_squeeze %dma_start3A_13 : memref<1x2x4096xf32, #tpu.memory_space<hbm>> -> memref<2x4096xf32, #tpu.memory_space<hbm>>
    tpu.enqueue_dma source(%dma_start3A_14 : memref<2x4096xf32, #tpu.memory_space<hbm>>) target(%arg9 : memref<2x4096xf32, #tpu.memory_space<vmem>>) target_semaphore(%arg17 : memref<!tpu.dma_semaphore, #tpu.memory_space<semaphore_mem>>)
    %dma_start3A_15 = arith.constant 1 : i32
    %dma_start3A_16 = arith.constant 0 : i32
    %dma_start3A_17 = tpu.memref_slice %arg2[%dma_start3A_15, %add3A_4, %dma_start3A_16] : memref<2x4096x4096xf32, #tpu.memory_space<hbm>> -> memref<1x2x4096xf32, #tpu.memory_space<hbm>>
    %dma_start3A_18 = tpu.memref_squeeze %dma_start3A_17 : memref<1x2x4096xf32, #tpu.memory_space<hbm>> -> memref<2x4096xf32, #tpu.memory_space<hbm>>
    %dma_start3A_19 = arith.constant 0 : i32
    %dma_start3A_20 = tpu.memref_slice %arg2[%dma_start3A_15, %add3A_4, %dma_start3A_19] : memref<2x4096x4096xf32, #tpu.memory_space<hbm>> -> memref<1x2x4096xf32, #tpu.memory_space<hbm>>
    %dma_start3A_21 = tpu.memref_squeeze %dma_start3A_20 : memref<1x2x4096xf32, #tpu.memory_space<hbm>> -> memref<2x4096xf32, #tpu.memory_space<hbm>>
    tpu.enqueue_dma source(%dma_start3A_21 : memref<2x4096xf32, #tpu.memory_space<hbm>>) target(%arg13 : memref<2x4096xf32, #tpu.memory_space<vmem>>) target_semaphore(%arg17 : memref<!tpu.dma_semaphore, #tpu.memory_space<semaphore_mem>>)
    %add3A_22 = arith.constant 2 : i32
    %add3A_23 = arith.addi %mul3A_2, %add3A_22 : i32
    %dma_start3A_24 = arith.constant 0 : i32
    %dma_start3A_25 = tpu.memref_slice %arg3[%add3A_23, %dma_start3A_24] : memref<4096x4096xf32, #tpu.memory_space<hbm>> -> memref<2x4096xf32, #tpu.memory_space<hbm>>
    %dma_start3A_26 = arith.constant 0 : i32
    %dma_start3A_27 = tpu.memref_slice %arg3[%add3A_23, %dma_start3A_26] : memref<4096x4096xf32, #tpu.memory_space<hbm>> -> memref<2x4096xf32, #tpu.memory_space<hbm>>
    tpu.enqueue_dma source(%dma_start3A_27 : memref<2x4096xf32, #tpu.memory_space<hbm>>) target(%arg6 : memref<2x4096xf32, #tpu.memory_space<vmem>>) target_semaphore(%arg18 : memref<!tpu.dma_semaphore, #tpu.memory_space<semaphore_mem>>)
    %dma_start3A_28 = arith.constant 0 : i32
    %dma_start3A_29 = arith.constant 0 : i32
    %dma_start3A_30 = tpu.memref_slice %arg2[%dma_start3A_28, %add3A_23, %dma_start3A_29] : memref<2x4096x4096xf32, #tpu.memory_space<hbm>> -> memref<1x2x4096xf32, #tpu.memory_space<hbm>>
    %dma_start3A_31 = tpu.memref_squeeze %dma_start3A_30 : memref<1x2x4096xf32, #tpu.memory_space<hbm>> -> memref<2x4096xf32, #tpu.memory_space<hbm>>
    %dma_start3A_32 = arith.constant 0 : i32
    %dma_start3A_33 = tpu.memref_slice %arg2[%dma_start3A_28, %add3A_23, %dma_start3A_32] : memref<2x4096x4096xf32, #tpu.memory_space<hbm>> -> memref<1x2x4096xf32, #tpu.memory_space<hbm>>
    %dma_start3A_34 = tpu.memref_squeeze %dma_start3A_33 : memref<1x2x4096xf32, #tpu.memory_space<hbm>> -> memref<2x4096xf32, #tpu.memory_space<hbm>>
    tpu.enqueue_dma source(%dma_start3A_34 : memref<2x4096xf32, #tpu.memory_space<hbm>>) target(%arg10 : memref<2x4096xf32, #tpu.memory_space<vmem>>) target_semaphore(%arg18 : memref<!tpu.dma_semaphore, #tpu.memory_space<semaphore_mem>>)
    %dma_start3A_35 = arith.constant 1 : i32
    %dma_start3A_36 = arith.constant 0 : i32
    %dma_start3A_37 = tpu.memref_slice %arg2[%dma_start3A_35, %add3A_23, %dma_start3A_36] : memref<2x4096x4096xf32, #tpu.memory_space<hbm>> -> memref<1x2x4096xf32, #tpu.memory_space<hbm>>
    %dma_start3A_38 = tpu.memref_squeeze %dma_start3A_37 : memref<1x2x4096xf32, #tpu.memory_space<hbm>> -> memref<2x4096xf32, #tpu.memory_space<hbm>>
    %dma_start3A_39 = arith.constant 0 : i32
    %dma_start3A_40 = tpu.memref_slice %arg2[%dma_start3A_35, %add3A_23, %dma_start3A_39] : memref<2x4096x4096xf32, #tpu.memory_space<hbm>> -> memref<1x2x4096xf32, #tpu.memory_space<hbm>>
    %dma_start3A_41 = tpu.memref_squeeze %dma_start3A_40 : memref<1x2x4096xf32, #tpu.memory_space<hbm>> -> memref<2x4096xf32, #tpu.memory_space<hbm>>
    tpu.enqueue_dma source(%dma_start3A_41 : memref<2x4096xf32, #tpu.memory_space<hbm>>) target(%arg14 : memref<2x4096xf32, #tpu.memory_space<vmem>>) target_semaphore(%arg18 : memref<!tpu.dma_semaphore, #tpu.memory_space<semaphore_mem>>)
    %scan3A = arith.constant 0 : i32
    %scan3A_42 = arith.constant 0 : i32
    %scan3A_43 = arith.constant 16 : i32
    %scan3A_44 = arith.addi %scan3A_42, %scan3A_43 : i32
    %scan3A_45 = arith.constant 1 : i32
    scf.for %scan3A_118 = %scan3A_42 to %scan3A_44 step %scan3A_45  : i32 {
      %mul3A_119 = arith.constant 4 : i32
      %mul3A_120 = arith.muli %scan3A_118, %mul3A_119 : i32
      %add3A_121 = arith.constant 0 : i32
      %add3A_122 = arith.addi %mul3A_120, %add3A_121 : i32
      %add3A_123 = arith.constant 2 : i32
      %add3A_124 = arith.addi %add3A_122, %add3A_123 : i32
      %lt3A = arith.constant 64 : i32
      %lt3A_125 = arith.cmpi slt, %add3A_124, %lt3A : i32
      %convert_element_type3A = arith.extui %lt3A_125 : i1 to i32
      %cond3A = arith.constant 0 : i32
      %cond3A_126 = arith.cmpi ne, %convert_element_type3A, %cond3A : i32
      scf.if %cond3A_126 {
        %add3A_323 = arith.constant 2 : i32
        %add3A_324 = arith.addi %add3A_122, %add3A_323 : i32
        %ge3A = arith.constant 4 : i32
        %ge3A_325 = arith.cmpi sge, %add3A_324, %ge3A : i32
        %convert_element_type3A_326 = arith.extui %ge3A_325 : i1 to i32
        %cond3A_327 = arith.constant 0 : i32
        %cond3A_328 = arith.cmpi ne, %convert_element_type3A_326, %cond3A_327 : i32
        scf.if %cond3A_328 {
          %dma_wait3A_352 = arith.constant 0 : i32
          %dma_wait3A_353 = arith.constant 0 : i32
          %dma_wait3A_354 = arith.constant 0 : i32
          %dma_wait3A_355 = tpu.memref_slice %arg4[%dma_wait3A_352, %dma_wait3A_353, %dma_wait3A_354] : memref<2x4096x4096xf32, #tpu.memory_space<hbm>> -> memref<1x2x4096xf32, #tpu.memory_space<hbm>>
          %dma_wait3A_356 = tpu.memref_squeeze %dma_wait3A_355 : memref<1x2x4096xf32, #tpu.memory_space<hbm>> -> memref<2x4096xf32, #tpu.memory_space<hbm>>
          %dma_wait3A_357 = arith.constant 0 : i32
          %dma_wait3A_358 = arith.constant 0 : i32
          %dma_wait3A_359 = tpu.memref_slice %arg4[%dma_wait3A_352, %dma_wait3A_357, %dma_wait3A_358] : memref<2x4096x4096xf32, #tpu.memory_space<hbm>> -> memref<1x2x4096xf32, #tpu.memory_space<hbm>>
          %dma_wait3A_360 = tpu.memref_squeeze %dma_wait3A_359 : memref<1x2x4096xf32, #tpu.memory_space<hbm>> -> memref<2x4096xf32, #tpu.memory_space<hbm>>
          tpu.wait_dma2 semaphore(%arg23 : memref<!tpu.dma_semaphore, #tpu.memory_space<semaphore_mem>>) src(%arg11 : memref<2x4096xf32, #tpu.memory_space<vmem>>) dst(%dma_wait3A_360 : memref<2x4096xf32, #tpu.memory_space<hbm>>)
          %dma_wait3A_361 = arith.constant 1 : i32
          %dma_wait3A_362 = arith.constant 0 : i32
          %dma_wait3A_363 = arith.constant 0 : i32
          %dma_wait3A_364 = tpu.memref_slice %arg4[%dma_wait3A_361, %dma_wait3A_362, %dma_wait3A_363] : memref<2x4096x4096xf32, #tpu.memory_space<hbm>> -> memref<1x2x4096xf32, #tpu.memory_space<hbm>>
          %dma_wait3A_365 = tpu.memref_squeeze %dma_wait3A_364 : memref<1x2x4096xf32, #tpu.memory_space<hbm>> -> memref<2x4096xf32, #tpu.memory_space<hbm>>
          %dma_wait3A_366 = arith.constant 0 : i32
          %dma_wait3A_367 = arith.constant 0 : i32
          %dma_wait3A_368 = tpu.memref_slice %arg4[%dma_wait3A_361, %dma_wait3A_366, %dma_wait3A_367] : memref<2x4096x4096xf32, #tpu.memory_space<hbm>> -> memref<1x2x4096xf32, #tpu.memory_space<hbm>>
          %dma_wait3A_369 = tpu.memref_squeeze %dma_wait3A_368 : memref<1x2x4096xf32, #tpu.memory_space<hbm>> -> memref<2x4096xf32, #tpu.memory_space<hbm>>
          tpu.wait_dma2 semaphore(%arg23 : memref<!tpu.dma_semaphore, #tpu.memory_space<semaphore_mem>>) src(%arg15 : memref<2x4096xf32, #tpu.memory_space<vmem>>) dst(%dma_wait3A_369 : memref<2x4096xf32, #tpu.memory_space<hbm>>)
        } else {
        }
        %add3A_329 = arith.constant 2 : i32
        %add3A_330 = arith.addi %add3A_122, %add3A_329 : i32
        %mul3A_331 = arith.constant 2 : i32
        %mul3A_332 = arith.muli %add3A_330, %mul3A_331 : i32
        %add3A_333 = arith.addi %mul3A_2, %mul3A_332 : i32
        %dma_start3A_334 = arith.constant 0 : i32
        %dma_start3A_335 = tpu.memref_slice %arg3[%add3A_333, %dma_start3A_334] : memref<4096x4096xf32, #tpu.memory_space<hbm>> -> memref<2x4096xf32, #tpu.memory_space<hbm>>
        %dma_start3A_336 = arith.constant 0 : i32
        %dma_start3A_337 = tpu.memref_slice %arg3[%add3A_333, %dma_start3A_336] : memref<4096x4096xf32, #tpu.memory_space<hbm>> -> memref<2x4096xf32, #tpu.memory_space<hbm>>
        tpu.enqueue_dma source(%dma_start3A_337 : memref<2x4096xf32, #tpu.memory_space<hbm>>) target(%arg7 : memref<2x4096xf32, #tpu.memory_space<vmem>>) target_semaphore(%arg19 : memref<!tpu.dma_semaphore, #tpu.memory_space<semaphore_mem>>)
        %dma_start3A_338 = arith.constant 0 : i32
        %dma_start3A_339 = arith.constant 0 : i32
        %dma_start3A_340 = tpu.memref_slice %arg2[%dma_start3A_338, %add3A_333, %dma_start3A_339] : memref<2x4096x4096xf32, #tpu.memory_space<hbm>> -> memref<1x2x4096xf32, #tpu.memory_space<hbm>>
        %dma_start3A_341 = tpu.memref_squeeze %dma_start3A_340 : memref<1x2x4096xf32, #tpu.memory_space<hbm>> -> memref<2x4096xf32, #tpu.memory_space<hbm>>
        %dma_start3A_342 = arith.constant 0 : i32
        %dma_start3A_343 = tpu.memref_slice %arg2[%dma_start3A_338, %add3A_333, %dma_start3A_342] : memref<2x4096x4096xf32, #tpu.memory_space<hbm>> -> memref<1x2x4096xf32, #tpu.memory_space<hbm>>
        %dma_start3A_344 = tpu.memref_squeeze %dma_start3A_343 : memref<1x2x4096xf32, #tpu.memory_space<hbm>> -> memref<2x4096xf32, #tpu.memory_space<hbm>>
        tpu.enqueue_dma source(%dma_start3A_344 : memref<2x4096xf32, #tpu.memory_space<hbm>>) target(%arg11 : memref<2x4096xf32, #tpu.memory_space<vmem>>) target_semaphore(%arg19 : memref<!tpu.dma_semaphore, #tpu.memory_space<semaphore_mem>>)
        %dma_start3A_345 = arith.constant 1 : i32
        %dma_start3A_346 = arith.constant 0 : i32
        %dma_start3A_347 = tpu.memref_slice %arg2[%dma_start3A_345, %add3A_333, %dma_start3A_346] : memref<2x4096x4096xf32, #tpu.memory_space<hbm>> -> memref<1x2x4096xf32, #tpu.memory_space<hbm>>
        %dma_start3A_348 = tpu.memref_squeeze %dma_start3A_347 : memref<1x2x4096xf32, #tpu.memory_space<hbm>> -> memref<2x4096xf32, #tpu.memory_space<hbm>>
        %dma_start3A_349 = arith.constant 0 : i32
        %dma_start3A_350 = tpu.memref_slice %arg2[%dma_start3A_345, %add3A_333, %dma_start3A_349] : memref<2x4096x4096xf32, #tpu.memory_space<hbm>> -> memref<1x2x4096xf32, #tpu.memory_space<hbm>>
        %dma_start3A_351 = tpu.memref_squeeze %dma_start3A_350 : memref<1x2x4096xf32, #tpu.memory_space<hbm>> -> memref<2x4096xf32, #tpu.memory_space<hbm>>
        tpu.enqueue_dma source(%dma_start3A_351 : memref<2x4096xf32, #tpu.memory_space<hbm>>) target(%arg15 : memref<2x4096xf32, #tpu.memory_space<vmem>>) target_semaphore(%arg19 : memref<!tpu.dma_semaphore, #tpu.memory_space<semaphore_mem>>)
      } else {
      }
      %dma_wait3A_127 = arith.constant 0 : i32
      %dma_wait3A_128 = arith.constant 0 : i32
      %dma_wait3A_129 = tpu.memref_slice %arg3[%dma_wait3A_127, %dma_wait3A_128] : memref<4096x4096xf32, #tpu.memory_space<hbm>> -> memref<2x4096xf32, #tpu.memory_space<hbm>>
      %dma_wait3A_130 = arith.constant 0 : i32
      %dma_wait3A_131 = arith.constant 0 : i32
      %dma_wait3A_132 = tpu.memref_slice %arg3[%dma_wait3A_130, %dma_wait3A_131] : memref<4096x4096xf32, #tpu.memory_space<hbm>> -> memref<2x4096xf32, #tpu.memory_space<hbm>>
      tpu.wait_dma2 semaphore(%arg17 : memref<!tpu.dma_semaphore, #tpu.memory_space<semaphore_mem>>) src(%dma_wait3A_132 : memref<2x4096xf32, #tpu.memory_space<hbm>>) dst(%arg5 : memref<2x4096xf32, #tpu.memory_space<vmem>>)
      %dma_wait3A_133 = arith.constant 0 : i32
      %dma_wait3A_134 = arith.constant 0 : i32
      %dma_wait3A_135 = tpu.memref_slice %arg3[%dma_wait3A_133, %dma_wait3A_134] : memref<4096x4096xf32, #tpu.memory_space<hbm>> -> memref<2x4096xf32, #tpu.memory_space<hbm>>
      %dma_wait3A_136 = arith.constant 0 : i32
      %dma_wait3A_137 = arith.constant 0 : i32
      %dma_wait3A_138 = tpu.memref_slice %arg3[%dma_wait3A_136, %dma_wait3A_137] : memref<4096x4096xf32, #tpu.memory_space<hbm>> -> memref<2x4096xf32, #tpu.memory_space<hbm>>
      tpu.wait_dma2 semaphore(%arg17 : memref<!tpu.dma_semaphore, #tpu.memory_space<semaphore_mem>>) src(%dma_wait3A_138 : memref<2x4096xf32, #tpu.memory_space<hbm>>) dst(%arg9 : memref<2x4096xf32, #tpu.memory_space<vmem>>)
      %dma_wait3A_139 = arith.constant 0 : i32
      %dma_wait3A_140 = arith.constant 0 : i32
      %dma_wait3A_141 = tpu.memref_slice %arg3[%dma_wait3A_139, %dma_wait3A_140] : memref<4096x4096xf32, #tpu.memory_space<hbm>> -> memref<2x4096xf32, #tpu.memory_space<hbm>>
      %dma_wait3A_142 = arith.constant 0 : i32
      %dma_wait3A_143 = arith.constant 0 : i32
      %dma_wait3A_144 = tpu.memref_slice %arg3[%dma_wait3A_142, %dma_wait3A_143] : memref<4096x4096xf32, #tpu.memory_space<hbm>> -> memref<2x4096xf32, #tpu.memory_space<hbm>>
      tpu.wait_dma2 semaphore(%arg17 : memref<!tpu.dma_semaphore, #tpu.memory_space<semaphore_mem>>) src(%dma_wait3A_144 : memref<2x4096xf32, #tpu.memory_space<hbm>>) dst(%arg13 : memref<2x4096xf32, #tpu.memory_space<vmem>>)
      %parallel_loop3A = arith.constant 0 : i32
      %parallel_loop3A_145 = arith.constant 4096 : i32
      %parallel_loop3A_146 = arith.constant 16 : i32
      scf.for %parallel_loop3A_323 = %parallel_loop3A to %parallel_loop3A_145 step %parallel_loop3A_146  : i32 {
        %parallel_loop3A_324 = arith.constant 0 : i32
        %parallel_loop3A_325 = arith.index_cast %parallel_loop3A_324 : i32 to index
        %parallel_loop3A_326 = arith.index_cast %parallel_loop3A_323 : i32 to index
        %parallel_loop3A_327 = tpu.vector_load %arg5[%parallel_loop3A_325, %parallel_loop3A_326] {strides = array<i32>} : memref<2x4096xf32, #tpu.memory_space<vmem>>, vector<1x16xf32>,
        %parallel_loop3A_328 = vector.shape_cast %parallel_loop3A_327 : vector<1x16xf32> to vector<16xf32>
        %parallel_loop3A_329 = arith.constant 0 : i32
        %parallel_loop3A_330 = arith.index_cast %parallel_loop3A_329 : i32 to index
        %parallel_loop3A_331 = arith.index_cast %parallel_loop3A_323 : i32 to index
        %parallel_loop3A_332 = tpu.vector_load %arg9[%parallel_loop3A_330, %parallel_loop3A_331] {strides = array<i32>} : memref<2x4096xf32, #tpu.memory_space<vmem>>, vector<1x16xf32>,
        %parallel_loop3A_333 = vector.shape_cast %parallel_loop3A_332 : vector<1x16xf32> to vector<16xf32>
        %parallel_loop3A_334 = arith.addf %parallel_loop3A_333, %parallel_loop3A_328 : vector<16xf32>
        %parallel_loop3A_335 = arith.constant 0 : i32
        %parallel_loop3A_336 = arith.index_cast %parallel_loop3A_335 : i32 to index
        %parallel_loop3A_337 = arith.index_cast %parallel_loop3A_323 : i32 to index
        %parallel_loop3A_338 = tpu.vector_load %arg9[%parallel_loop3A_336, %parallel_loop3A_337] {strides = array<i32>} : memref<2x4096xf32, #tpu.memory_space<vmem>>, vector<1x16xf32>,
        %parallel_loop3A_339 = vector.shape_cast %parallel_loop3A_338 : vector<1x16xf32> to vector<16xf32>
        %parallel_loop3A_340 = vector.shape_cast %parallel_loop3A_334 : vector<16xf32> to vector<1x16xf32>
        tpu.vector_store %arg9[%parallel_loop3A_336, %parallel_loop3A_337], %parallel_loop3A_340 {strides = array<i32>} : memref<2x4096xf32, #tpu.memory_space<vmem>>, vector<1x16xf32>,
        %parallel_loop3A_341 = arith.constant 0 : i32
        %parallel_loop3A_342 = arith.index_cast %parallel_loop3A_341 : i32 to index
        %parallel_loop3A_343 = arith.index_cast %parallel_loop3A_323 : i32 to index
        %parallel_loop3A_344 = tpu.vector_load %arg13[%parallel_loop3A_342, %parallel_loop3A_343] {strides = array<i32>} : memref<2x4096xf32, #tpu.memory_space<vmem>>, vector<1x16xf32>,
        %parallel_loop3A_345 = vector.shape_cast %parallel_loop3A_344 : vector<1x16xf32> to vector<16xf32>
        %parallel_loop3A_346 = arith.addf %parallel_loop3A_345, %parallel_loop3A_328 : vector<16xf32>
        %parallel_loop3A_347 = arith.constant 0 : i32
        %parallel_loop3A_348 = arith.index_cast %parallel_loop3A_347 : i32 to index
        %parallel_loop3A_349 = arith.index_cast %parallel_loop3A_323 : i32 to index
        %parallel_loop3A_350 = tpu.vector_load %arg13[%parallel_loop3A_348, %parallel_loop3A_349] {strides = array<i32>} : memref<2x4096xf32, #tpu.memory_space<vmem>>, vector<1x16xf32>,
        %parallel_loop3A_351 = vector.shape_cast %parallel_loop3A_350 : vector<1x16xf32> to vector<16xf32>
        %parallel_loop3A_352 = vector.shape_cast %parallel_loop3A_346 : vector<16xf32> to vector<1x16xf32>
        tpu.vector_store %arg13[%parallel_loop3A_348, %parallel_loop3A_349], %parallel_loop3A_352 {strides = array<i32>} : memref<2x4096xf32, #tpu.memory_space<vmem>>, vector<1x16xf32>,
      } {sc.loop_unroll_factor = 4 : i64, sc.parallel_access}
      %parallel_loop3A_147 = arith.constant 0 : i32
      %parallel_loop3A_148 = arith.constant 4096 : i32
      %parallel_loop3A_149 = arith.constant 16 : i32
      scf.for %parallel_loop3A_323 = %parallel_loop3A_147 to %parallel_loop3A_148 step %parallel_loop3A_149  : i32 {
        %parallel_loop3A_324 = arith.constant 1 : i32
        %parallel_loop3A_325 = arith.index_cast %parallel_loop3A_324 : i32 to index
        %parallel_loop3A_326 = arith.index_cast %parallel_loop3A_323 : i32 to index
        %parallel_loop3A_327 = tpu.vector_load %arg5[%parallel_loop3A_325, %parallel_loop3A_326] {strides = array<i32>} : memref<2x4096xf32, #tpu.memory_space<vmem>>, vector<1x16xf32>,
        %parallel_loop3A_328 = vector.shape_cast %parallel_loop3A_327 : vector<1x16xf32> to vector<16xf32>
        %parallel_loop3A_329 = arith.constant 1 : i32
        %parallel_loop3A_330 = arith.index_cast %parallel_loop3A_329 : i32 to index
        %parallel_loop3A_331 = arith.index_cast %parallel_loop3A_323 : i32 to index
        %parallel_loop3A_332 = tpu.vector_load %arg9[%parallel_loop3A_330, %parallel_loop3A_331] {strides = array<i32>} : memref<2x4096xf32, #tpu.memory_space<vmem>>, vector<1x16xf32>,
        %parallel_loop3A_333 = vector.shape_cast %parallel_loop3A_332 : vector<1x16xf32> to vector<16xf32>
        %parallel_loop3A_334 = arith.addf %parallel_loop3A_333, %parallel_loop3A_328 : vector<16xf32>
        %parallel_loop3A_335 = arith.constant 1 : i32
        %parallel_loop3A_336 = arith.index_cast %parallel_loop3A_335 : i32 to index
        %parallel_loop3A_337 = arith.index_cast %parallel_loop3A_323 : i32 to index
        %parallel_loop3A_338 = tpu.vector_load %arg9[%parallel_loop3A_336, %parallel_loop3A_337] {strides = array<i32>} : memref<2x4096xf32, #tpu.memory_space<vmem>>, vector<1x16xf32>,
        %parallel_loop3A_339 = vector.shape_cast %parallel_loop3A_338 : vector<1x16xf32> to vector<16xf32>
        %parallel_loop3A_340 = vector.shape_cast %parallel_loop3A_334 : vector<16xf32> to vector<1x16xf32>
        tpu.vector_store %arg9[%parallel_loop3A_336, %parallel_loop3A_337], %parallel_loop3A_340 {strides = array<i32>} : memref<2x4096xf32, #tpu.memory_space<vmem>>, vector<1x16xf32>,
        %parallel_loop3A_341 = arith.constant 1 : i32
        %parallel_loop3A_342 = arith.index_cast %parallel_loop3A_341 : i32 to index
        %parallel_loop3A_343 = arith.index_cast %parallel_loop3A_323 : i32 to index
        %parallel_loop3A_344 = tpu.vector_load %arg13[%parallel_loop3A_342, %parallel_loop3A_343] {strides = array<i32>} : memref<2x4096xf32, #tpu.memory_space<vmem>>, vector<1x16xf32>,
        %parallel_loop3A_345 = vector.shape_cast %parallel_loop3A_344 : vector<1x16xf32> to vector<16xf32>
        %parallel_loop3A_346 = arith.addf %parallel_loop3A_345, %parallel_loop3A_328 : vector<16xf32>
        %parallel_loop3A_347 = arith.constant 1 : i32
        %parallel_loop3A_348 = arith.index_cast %parallel_loop3A_347 : i32 to index
        %parallel_loop3A_349 = arith.index_cast %parallel_loop3A_323 : i32 to index
        %parallel_loop3A_350 = tpu.vector_load %arg13[%parallel_loop3A_348, %parallel_loop3A_349] {strides = array<i32>} : memref<2x4096xf32, #tpu.memory_space<vmem>>, vector<1x16xf32>,
        %parallel_loop3A_351 = vector.shape_cast %parallel_loop3A_350 : vector<1x16xf32> to vector<16xf32>
        %parallel_loop3A_352 = vector.shape_cast %parallel_loop3A_346 : vector<16xf32> to vector<1x16xf32>
        tpu.vector_store %arg13[%parallel_loop3A_348, %parallel_loop3A_349], %parallel_loop3A_352 {strides = array<i32>} : memref<2x4096xf32, #tpu.memory_space<vmem>>, vector<1x16xf32>,
      } {sc.loop_unroll_factor = 4 : i64, sc.parallel_access}
      %mul3A_150 = arith.constant 2 : i32
      %mul3A_151 = arith.muli %add3A_122, %mul3A_150 : i32
      %add3A_152 = arith.addi %mul3A_2, %mul3A_151 : i32
      %dma_start3A_153 = arith.constant 0 : i32
      %dma_start3A_154 = arith.constant 0 : i32
      %dma_start3A_155 = tpu.memref_slice %arg4[%dma_start3A_153, %add3A_152, %dma_start3A_154] : memref<2x4096x4096xf32, #tpu.memory_space<hbm>> -> memref<1x2x4096xf32, #tpu.memory_space<hbm>>
      %dma_start3A_156 = tpu.memref_squeeze %dma_start3A_155 : memref<1x2x4096xf32, #tpu.memory_space<hbm>> -> memref<2x4096xf32, #tpu.memory_space<hbm>>
      %dma_start3A_157 = arith.constant 0 : i32
      %dma_start3A_158 = tpu.memref_slice %arg4[%dma_start3A_153, %add3A_152, %dma_start3A_157] : memref<2x4096x4096xf32, #tpu.memory_space<hbm>> -> memref<1x2x4096xf32, #tpu.memory_space<hbm>>
      %dma_start3A_159 = tpu.memref_squeeze %dma_start3A_158 : memref<1x2x4096xf32, #tpu.memory_space<hbm>> -> memref<2x4096xf32, #tpu.memory_space<hbm>>
      tpu.enqueue_dma source(%arg9 : memref<2x4096xf32, #tpu.memory_space<vmem>>) target(%dma_start3A_159 : memref<2x4096xf32, #tpu.memory_space<hbm>>) target_semaphore(%arg21 : memref<!tpu.dma_semaphore, #tpu.memory_space<semaphore_mem>>)
      %dma_start3A_160 = arith.constant 1 : i32
      %dma_start3A_161 = arith.constant 0 : i32
      %dma_start3A_162 = tpu.memref_slice %arg4[%dma_start3A_160, %add3A_152, %dma_start3A_161] : memref<2x4096x4096xf32, #tpu.memory_space<hbm>> -> memref<1x2x4096xf32, #tpu.memory_space<hbm>>
      %dma_start3A_163 = tpu.memref_squeeze %dma_start3A_162 : memref<1x2x4096xf32, #tpu.memory_space<hbm>> -> memref<2x4096xf32, #tpu.memory_space<hbm>>
      %dma_start3A_164 = arith.constant 0 : i32
      %dma_start3A_165 = tpu.memref_slice %arg4[%dma_start3A_160, %add3A_152, %dma_start3A_164] : memref<2x4096x4096xf32, #tpu.memory_space<hbm>> -> memref<1x2x4096xf32, #tpu.memory_space<hbm>>
      %dma_start3A_166 = tpu.memref_squeeze %dma_start3A_165 : memref<1x2x4096xf32, #tpu.memory_space<hbm>> -> memref<2x4096xf32, #tpu.memory_space<hbm>>
      tpu.enqueue_dma source(%arg13 : memref<2x4096xf32, #tpu.memory_space<vmem>>) target(%dma_start3A_166 : memref<2x4096xf32, #tpu.memory_space<hbm>>) target_semaphore(%arg21 : memref<!tpu.dma_semaphore, #tpu.memory_space<semaphore_mem>>)
      %mul3A_167 = arith.constant 4 : i32
      %mul3A_168 = arith.muli %scan3A_118, %mul3A_167 : i32
      %add3A_169 = arith.constant 1 : i32
      %add3A_170 = arith.addi %mul3A_168, %add3A_169 : i32
      %add3A_171 = arith.constant 2 : i32
      %add3A_172 = arith.addi %add3A_170, %add3A_171 : i32
      %lt3A_173 = arith.constant 64 : i32
      %lt3A_174 = arith.cmpi slt, %add3A_172, %lt3A_173 : i32
      %convert_element_type3A_175 = arith.extui %lt3A_174 : i1 to i32
      %cond3A_176 = arith.constant 0 : i32
      %cond3A_177 = arith.cmpi ne, %convert_element_type3A_175, %cond3A_176 : i32
      scf.if %cond3A_177 {
        %add3A_323 = arith.constant 2 : i32
        %add3A_324 = arith.addi %add3A_170, %add3A_323 : i32
        %ge3A = arith.constant 4 : i32
        %ge3A_325 = arith.cmpi sge, %add3A_324, %ge3A : i32
        %convert_element_type3A_326 = arith.extui %ge3A_325 : i1 to i32
        %cond3A_327 = arith.constant 0 : i32
        %cond3A_328 = arith.cmpi ne, %convert_element_type3A_326, %cond3A_327 : i32
        scf.if %cond3A_328 {
          %dma_wait3A_352 = arith.constant 0 : i32
          %dma_wait3A_353 = arith.constant 0 : i32
          %dma_wait3A_354 = arith.constant 0 : i32
          %dma_wait3A_355 = tpu.memref_slice %arg4[%dma_wait3A_352, %dma_wait3A_353, %dma_wait3A_354] : memref<2x4096x4096xf32, #tpu.memory_space<hbm>> -> memref<1x2x4096xf32, #tpu.memory_space<hbm>>
          %dma_wait3A_356 = tpu.memref_squeeze %dma_wait3A_355 : memref<1x2x4096xf32, #tpu.memory_space<hbm>> -> memref<2x4096xf32, #tpu.memory_space<hbm>>
          %dma_wait3A_357 = arith.constant 0 : i32
          %dma_wait3A_358 = arith.constant 0 : i32
          %dma_wait3A_359 = tpu.memref_slice %arg4[%dma_wait3A_352, %dma_wait3A_357, %dma_wait3A_358] : memref<2x4096x4096xf32, #tpu.memory_space<hbm>> -> memref<1x2x4096xf32, #tpu.memory_space<hbm>>
          %dma_wait3A_360 = tpu.memref_squeeze %dma_wait3A_359 : memref<1x2x4096xf32, #tpu.memory_space<hbm>> -> memref<2x4096xf32, #tpu.memory_space<hbm>>
          tpu.wait_dma2 semaphore(%arg24 : memref<!tpu.dma_semaphore, #tpu.memory_space<semaphore_mem>>) src(%arg12 : memref<2x4096xf32, #tpu.memory_space<vmem>>) dst(%dma_wait3A_360 : memref<2x4096xf32, #tpu.memory_space<hbm>>)
          %dma_wait3A_361 = arith.constant 1 : i32
          %dma_wait3A_362 = arith.constant 0 : i32
          %dma_wait3A_363 = arith.constant 0 : i32
          %dma_wait3A_364 = tpu.memref_slice %arg4[%dma_wait3A_361, %dma_wait3A_362, %dma_wait3A_363] : memref<2x4096x4096xf32, #tpu.memory_space<hbm>> -> memref<1x2x4096xf32, #tpu.memory_space<hbm>>
          %dma_wait3A_365 = tpu.memref_squeeze %dma_wait3A_364 : memref<1x2x4096xf32, #tpu.memory_space<hbm>> -> memref<2x4096xf32, #tpu.memory_space<hbm>>
          %dma_wait3A_366 = arith.constant 0 : i32
          %dma_wait3A_367 = arith.constant 0 : i32
          %dma_wait3A_368 = tpu.memref_slice %arg4[%dma_wait3A_361, %dma_wait3A_366, %dma_wait3A_367] : memref<2x4096x4096xf32, #tpu.memory_space<hbm>> -> memref<1x2x4096xf32, #tpu.memory_space<hbm>>
          %dma_wait3A_369 = tpu.memref_squeeze %dma_wait3A_368 : memref<1x2x4096xf32, #tpu.memory_space<hbm>> -> memref<2x4096xf32, #tpu.memory_space<hbm>>
          tpu.wait_dma2 semaphore(%arg24 : memref<!tpu.dma_semaphore, #tpu.memory_space<semaphore_mem>>) src(%arg16 : memref<2x4096xf32, #tpu.memory_space<vmem>>) dst(%dma_wait3A_369 : memref<2x4096xf32, #tpu.memory_space<hbm>>)
        } else {
        }
        %add3A_329 = arith.constant 2 : i32
        %add3A_330 = arith.addi %add3A_170, %add3A_329 : i32
        %mul3A_331 = arith.constant 2 : i32
        %mul3A_332 = arith.muli %add3A_330, %mul3A_331 : i32
        %add3A_333 = arith.addi %mul3A_2, %mul3A_332 : i32
        %dma_start3A_334 = arith.constant 0 : i32
        %dma_start3A_335 = tpu.memref_slice %arg3[%add3A_333, %dma_start3A_334] : memref<4096x4096xf32, #tpu.memory_space<hbm>> -> memref<2x4096xf32, #tpu.memory_space<hbm>>
        %dma_start3A_336 = arith.constant 0 : i32
        %dma_start3A_337 = tpu.memref_slice %arg3[%add3A_333, %dma_start3A_336] : memref<4096x4096xf32, #tpu.memory_space<hbm>> -> memref<2x4096xf32, #tpu.memory_space<hbm>>
        tpu.enqueue_dma source(%dma_start3A_337 : memref<2x4096xf32, #tpu.memory_space<hbm>>) target(%arg8 : memref<2x4096xf32, #tpu.memory_space<vmem>>) target_semaphore(%arg20 : memref<!tpu.dma_semaphore, #tpu.memory_space<semaphore_mem>>)
        %dma_start3A_338 = arith.constant 0 : i32
        %dma_start3A_339 = arith.constant 0 : i32
        %dma_start3A_340 = tpu.memref_slice %arg2[%dma_start3A_338, %add3A_333, %dma_start3A_339] : memref<2x4096x4096xf32, #tpu.memory_space<hbm>> -> memref<1x2x4096xf32, #tpu.memory_space<hbm>>
        %dma_start3A_341 = tpu.memref_squeeze %dma_start3A_340 : memref<1x2x4096xf32, #tpu.memory_space<hbm>> -> memref<2x4096xf32, #tpu.memory_space<hbm>>
        %dma_start3A_342 = arith.constant 0 : i32
        %dma_start3A_343 = tpu.memref_slice %arg2[%dma_start3A_338, %add3A_333, %dma_start3A_342] : memref<2x4096x4096xf32, #tpu.memory_space<hbm>> -> memref<1x2x4096xf32, #tpu.memory_space<hbm>>
        %dma_start3A_344 = tpu.memref_squeeze %dma_start3A_343 : memref<1x2x4096xf32, #tpu.memory_space<hbm>> -> memref<2x4096xf32, #tpu.memory_space<hbm>>
        tpu.enqueue_dma source(%dma_start3A_344 : memref<2x4096xf32, #tpu.memory_space<hbm>>) target(%arg12 : memref<2x4096xf32, #tpu.memory_space<vmem>>) target_semaphore(%arg20 : memref<!tpu.dma_semaphore, #tpu.memory_space<semaphore_mem>>)
        %dma_start3A_345 = arith.constant 1 : i32
        %dma_start3A_346 = arith.constant 0 : i32
        %dma_start3A_347 = tpu.memref_slice %arg2[%dma_start3A_345, %add3A_333, %dma_start3A_346] : memref<2x4096x4096xf32, #tpu.memory_space<hbm>> -> memref<1x2x4096xf32, #tpu.memory_space<hbm>>
        %dma_start3A_348 = tpu.memref_squeeze %dma_start3A_347 : memref<1x2x4096xf32, #tpu.memory_space<hbm>> -> memref<2x4096xf32, #tpu.memory_space<hbm>>
        %dma_start3A_349 = arith.constant 0 : i32
        %dma_start3A_350 = tpu.memref_slice %arg2[%dma_start3A_345, %add3A_333, %dma_start3A_349] : memref<2x4096x4096xf32, #tpu.memory_space<hbm>> -> memref<1x2x4096xf32, #tpu.memory_space<hbm>>
        %dma_start3A_351 = tpu.memref_squeeze %dma_start3A_350 : memref<1x2x4096xf32, #tpu.memory_space<hbm>> -> memref<2x4096xf32, #tpu.memory_space<hbm>>
        tpu.enqueue_dma source(%dma_start3A_351 : memref<2x4096xf32, #tpu.memory_space<hbm>>) target(%arg16 : memref<2x4096xf32, #tpu.memory_space<vmem>>) target_semaphore(%arg20 : memref<!tpu.dma_semaphore, #tpu.memory_space<semaphore_mem>>)
      } else {
      }
      %dma_wait3A_178 = arith.constant 0 : i32
      %dma_wait3A_179 = arith.constant 0 : i32
      %dma_wait3A_180 = tpu.memref_slice %arg3[%dma_wait3A_178, %dma_wait3A_179] : memref<4096x4096xf32, #tpu.memory_space<hbm>> -> memref<2x4096xf32, #tpu.memory_space<hbm>>
      %dma_wait3A_181 = arith.constant 0 : i32
      %dma_wait3A_182 = arith.constant 0 : i32
      %dma_wait3A_183 = tpu.memref_slice %arg3[%dma_wait3A_181, %dma_wait3A_182] : memref<4096x4096xf32, #tpu.memory_space<hbm>> -> memref<2x4096xf32, #tpu.memory_space<hbm>>
      tpu.wait_dma2 semaphore(%arg18 : memref<!tpu.dma_semaphore, #tpu.memory_space<semaphore_mem>>) src(%dma_wait3A_183 : memref<2x4096xf32, #tpu.memory_space<hbm>>) dst(%arg6 : memref<2x4096xf32, #tpu.memory_space<vmem>>)
      %dma_wait3A_184 = arith.constant 0 : i32
      %dma_wait3A_185 = arith.constant 0 : i32
      %dma_wait3A_186 = tpu.memref_slice %arg3[%dma_wait3A_184, %dma_wait3A_185] : memref<4096x4096xf32, #tpu.memory_space<hbm>> -> memref<2x4096xf32, #tpu.memory_space<hbm>>
      %dma_wait3A_187 = arith.constant 0 : i32
      %dma_wait3A_188 = arith.constant 0 : i32
      %dma_wait3A_189 = tpu.memref_slice %arg3[%dma_wait3A_187, %dma_wait3A_188] : memref<4096x4096xf32, #tpu.memory_space<hbm>> -> memref<2x4096xf32, #tpu.memory_space<hbm>>
      tpu.wait_dma2 semaphore(%arg18 : memref<!tpu.dma_semaphore, #tpu.memory_space<semaphore_mem>>) src(%dma_wait3A_189 : memref<2x4096xf32, #tpu.memory_space<hbm>>) dst(%arg10 : memref<2x4096xf32, #tpu.memory_space<vmem>>)
      %dma_wait3A_190 = arith.constant 0 : i32
      %dma_wait3A_191 = arith.constant 0 : i32
      %dma_wait3A_192 = tpu.memref_slice %arg3[%dma_wait3A_190, %dma_wait3A_191] : memref<4096x4096xf32, #tpu.memory_space<hbm>> -> memref<2x4096xf32, #tpu.memory_space<hbm>>
      %dma_wait3A_193 = arith.constant 0 : i32
      %dma_wait3A_194 = arith.constant 0 : i32
      %dma_wait3A_195 = tpu.memref_slice %arg3[%dma_wait3A_193, %dma_wait3A_194] : memref<4096x4096xf32, #tpu.memory_space<hbm>> -> memref<2x4096xf32, #tpu.memory_space<hbm>>
      tpu.wait_dma2 semaphore(%arg18 : memref<!tpu.dma_semaphore, #tpu.memory_space<semaphore_mem>>) src(%dma_wait3A_195 : memref<2x4096xf32, #tpu.memory_space<hbm>>) dst(%arg14 : memref<2x4096xf32, #tpu.memory_space<vmem>>)
      %parallel_loop3A_196 = arith.constant 0 : i32
      %parallel_loop3A_197 = arith.constant 4096 : i32
      %parallel_loop3A_198 = arith.constant 16 : i32
      scf.for %parallel_loop3A_323 = %parallel_loop3A_196 to %parallel_loop3A_197 step %parallel_loop3A_198  : i32 {
        %parallel_loop3A_324 = arith.constant 0 : i32
        %parallel_loop3A_325 = arith.index_cast %parallel_loop3A_324 : i32 to index
        %parallel_loop3A_326 = arith.index_cast %parallel_loop3A_323 : i32 to index
        %parallel_loop3A_327 = tpu.vector_load %arg6[%parallel_loop3A_325, %parallel_loop3A_326] {strides = array<i32>} : memref<2x4096xf32, #tpu.memory_space<vmem>>, vector<1x16xf32>,
        %parallel_loop3A_328 = vector.shape_cast %parallel_loop3A_327 : vector<1x16xf32> to vector<16xf32>
        %parallel_loop3A_329 = arith.constant 0 : i32
        %parallel_loop3A_330 = arith.index_cast %parallel_loop3A_329 : i32 to index
        %parallel_loop3A_331 = arith.index_cast %parallel_loop3A_323 : i32 to index
        %parallel_loop3A_332 = tpu.vector_load %arg10[%parallel_loop3A_330, %parallel_loop3A_331] {strides = array<i32>} : memref<2x4096xf32, #tpu.memory_space<vmem>>, vector<1x16xf32>,
        %parallel_loop3A_333 = vector.shape_cast %parallel_loop3A_332 : vector<1x16xf32> to vector<16xf32>
        %parallel_loop3A_334 = arith.addf %parallel_loop3A_333, %parallel_loop3A_328 : vector<16xf32>
        %parallel_loop3A_335 = arith.constant 0 : i32
        %parallel_loop3A_336 = arith.index_cast %parallel_loop3A_335 : i32 to index
        %parallel_loop3A_337 = arith.index_cast %parallel_loop3A_323 : i32 to index
        %parallel_loop3A_338 = tpu.vector_load %arg10[%parallel_loop3A_336, %parallel_loop3A_337] {strides = array<i32>} : memref<2x4096xf32, #tpu.memory_space<vmem>>, vector<1x16xf32>,
        %parallel_loop3A_339 = vector.shape_cast %parallel_loop3A_338 : vector<1x16xf32> to vector<16xf32>
        %parallel_loop3A_340 = vector.shape_cast %parallel_loop3A_334 : vector<16xf32> to vector<1x16xf32>
        tpu.vector_store %arg10[%parallel_loop3A_336, %parallel_loop3A_337], %parallel_loop3A_340 {strides = array<i32>} : memref<2x4096xf32, #tpu.memory_space<vmem>>, vector<1x16xf32>,
        %parallel_loop3A_341 = arith.constant 0 : i32
        %parallel_loop3A_342 = arith.index_cast %parallel_loop3A_341 : i32 to index
        %parallel_loop3A_343 = arith.index_cast %parallel_loop3A_323 : i32 to index
        %parallel_loop3A_344 = tpu.vector_load %arg14[%parallel_loop3A_342, %parallel_loop3A_343] {strides = array<i32>} : memref<2x4096xf32, #tpu.memory_space<vmem>>, vector<1x16xf32>,
        %parallel_loop3A_345 = vector.shape_cast %parallel_loop3A_344 : vector<1x16xf32> to vector<16xf32>
        %parallel_loop3A_346 = arith.addf %parallel_loop3A_345, %parallel_loop3A_328 : vector<16xf32>
        %parallel_loop3A_347 = arith.constant 0 : i32
        %parallel_loop3A_348 = arith.index_cast %parallel_loop3A_347 : i32 to index
        %parallel_loop3A_349 = arith.index_cast %parallel_loop3A_323 : i32 to index
        %parallel_loop3A_350 = tpu.vector_load %arg14[%parallel_loop3A_348, %parallel_loop3A_349] {strides = array<i32>} : memref<2x4096xf32, #tpu.memory_space<vmem>>, vector<1x16xf32>,
        %parallel_loop3A_351 = vector.shape_cast %parallel_loop3A_350 : vector<1x16xf32> to vector<16xf32>
        %parallel_loop3A_352 = vector.shape_cast %parallel_loop3A_346 : vector<16xf32> to vector<1x16xf32>
        tpu.vector_store %arg14[%parallel_loop3A_348, %parallel_loop3A_349], %parallel_loop3A_352 {strides = array<i32>} : memref<2x4096xf32, #tpu.memory_space<vmem>>, vector<1x16xf32>,
      } {sc.loop_unroll_factor = 4 : i64, sc.parallel_access}
      %parallel_loop3A_199 = arith.constant 0 : i32
      %parallel_loop3A_200 = arith.constant 4096 : i32
      %parallel_loop3A_201 = arith.constant 16 : i32
      scf.for %parallel_loop3A_323 = %parallel_loop3A_199 to %parallel_loop3A_200 step %parallel_loop3A_201  : i32 {
        %parallel_loop3A_324 = arith.constant 1 : i32
        %parallel_loop3A_325 = arith.index_cast %parallel_loop3A_324 : i32 to index
        %parallel_loop3A_326 = arith.index_cast %parallel_loop3A_323 : i32 to index
        %parallel_loop3A_327 = tpu.vector_load %arg6[%parallel_loop3A_325, %parallel_loop3A_326] {strides = array<i32>} : memref<2x4096xf32, #tpu.memory_space<vmem>>, vector<1x16xf32>,
        %parallel_loop3A_328 = vector.shape_cast %parallel_loop3A_327 : vector<1x16xf32> to vector<16xf32>
        %parallel_loop3A_329 = arith.constant 1 : i32
        %parallel_loop3A_330 = arith.index_cast %parallel_loop3A_329 : i32 to index
        %parallel_loop3A_331 = arith.index_cast %parallel_loop3A_323 : i32 to index
        %parallel_loop3A_332 = tpu.vector_load %arg10[%parallel_loop3A_330, %parallel_loop3A_331] {strides = array<i32>} : memref<2x4096xf32, #tpu.memory_space<vmem>>, vector<1x16xf32>,
        %parallel_loop3A_333 = vector.shape_cast %parallel_loop3A_332 : vector<1x16xf32> to vector<16xf32>
        %parallel_loop3A_334 = arith.addf %parallel_loop3A_333, %parallel_loop3A_328 : vector<16xf32>
        %parallel_loop3A_335 = arith.constant 1 : i32
        %parallel_loop3A_336 = arith.index_cast %parallel_loop3A_335 : i32 to index
        %parallel_loop3A_337 = arith.index_cast %parallel_loop3A_323 : i32 to index
        %parallel_loop3A_338 = tpu.vector_load %arg10[%parallel_loop3A_336, %parallel_loop3A_337] {strides = array<i32>} : memref<2x4096xf32, #tpu.memory_space<vmem>>, vector<1x16xf32>,
        %parallel_loop3A_339 = vector.shape_cast %parallel_loop3A_338 : vector<1x16xf32> to vector<16xf32>
        %parallel_loop3A_340 = vector.shape_cast %parallel_loop3A_334 : vector<16xf32> to vector<1x16xf32>
        tpu.vector_store %arg10[%parallel_loop3A_336, %parallel_loop3A_337], %parallel_loop3A_340 {strides = array<i32>} : memref<2x4096xf32, #tpu.memory_space<vmem>>, vector<1x16xf32>,
        %parallel_loop3A_341 = arith.constant 1 : i32
        %parallel_loop3A_342 = arith.index_cast %parallel_loop3A_341 : i32 to index
        %parallel_loop3A_343 = arith.index_cast %parallel_loop3A_323 : i32 to index
        %parallel_loop3A_344 = tpu.vector_load %arg14[%parallel_loop3A_342, %parallel_loop3A_343] {strides = array<i32>} : memref<2x4096xf32, #tpu.memory_space<vmem>>, vector<1x16xf32>,
        %parallel_loop3A_345 = vector.shape_cast %parallel_loop3A_344 : vector<1x16xf32> to vector<16xf32>
        %parallel_loop3A_346 = arith.addf %parallel_loop3A_345, %parallel_loop3A_328 : vector<16xf32>
        %parallel_loop3A_347 = arith.constant 1 : i32
        %parallel_loop3A_348 = arith.index_cast %parallel_loop3A_347 : i32 to index
        %parallel_loop3A_349 = arith.index_cast %parallel_loop3A_323 : i32 to index
        %parallel_loop3A_350 = tpu.vector_load %arg14[%parallel_loop3A_348, %parallel_loop3A_349] {strides = array<i32>} : memref<2x4096xf32, #tpu.memory_space<vmem>>, vector<1x16xf32>,
        %parallel_loop3A_351 = vector.shape_cast %parallel_loop3A_350 : vector<1x16xf32> to vector<16xf32>
        %parallel_loop3A_352 = vector.shape_cast %parallel_loop3A_346 : vector<16xf32> to vector<1x16xf32>
        tpu.vector_store %arg14[%parallel_loop3A_348, %parallel_loop3A_349], %parallel_loop3A_352 {strides = array<i32>} : memref<2x4096xf32, #tpu.memory_space<vmem>>, vector<1x16xf32>,
      } {sc.loop_unroll_factor = 4 : i64, sc.parallel_access}
      %mul3A_202 = arith.constant 2 : i32
      %mul3A_203 = arith.muli %add3A_170, %mul3A_202 : i32
      %add3A_204 = arith.addi %mul3A_2, %mul3A_203 : i32
      %dma_start3A_205 = arith.constant 0 : i32
      %dma_start3A_206 = arith.constant 0 : i32
      %dma_start3A_207 = tpu.memref_slice %arg4[%dma_start3A_205, %add3A_204, %dma_start3A_206] : memref<2x4096x4096xf32, #tpu.memory_space<hbm>> -> memref<1x2x4096xf32, #tpu.memory_space<hbm>>
      %dma_start3A_208 = tpu.memref_squeeze %dma_start3A_207 : memref<1x2x4096xf32, #tpu.memory_space<hbm>> -> memref<2x4096xf32, #tpu.memory_space<hbm>>
      %dma_start3A_209 = arith.constant 0 : i32
      %dma_start3A_210 = tpu.memref_slice %arg4[%dma_start3A_205, %add3A_204, %dma_start3A_209] : memref<2x4096x4096xf32, #tpu.memory_space<hbm>> -> memref<1x2x4096xf32, #tpu.memory_space<hbm>>
      %dma_start3A_211 = tpu.memref_squeeze %dma_start3A_210 : memref<1x2x4096xf32, #tpu.memory_space<hbm>> -> memref<2x4096xf32, #tpu.memory_space<hbm>>
      tpu.enqueue_dma source(%arg10 : memref<2x4096xf32, #tpu.memory_space<vmem>>) target(%dma_start3A_211 : memref<2x4096xf32, #tpu.memory_space<hbm>>) target_semaphore(%arg22 : memref<!tpu.dma_semaphore, #tpu.memory_space<semaphore_mem>>)
      %dma_start3A_212 = arith.constant 1 : i32
      %dma_start3A_213 = arith.constant 0 : i32
      %dma_start3A_214 = tpu.memref_slice %arg4[%dma_start3A_212, %add3A_204, %dma_start3A_213] : memref<2x4096x4096xf32, #tpu.memory_space<hbm>> -> memref<1x2x4096xf32, #tpu.memory_space<hbm>>
      %dma_start3A_215 = tpu.memref_squeeze %dma_start3A_214 : memref<1x2x4096xf32, #tpu.memory_space<hbm>> -> memref<2x4096xf32, #tpu.memory_space<hbm>>
      %dma_start3A_216 = arith.constant 0 : i32
      %dma_start3A_217 = tpu.memref_slice %arg4[%dma_start3A_212, %add3A_204, %dma_start3A_216] : memref<2x4096x4096xf32, #tpu.memory_space<hbm>> -> memref<1x2x4096xf32, #tpu.memory_space<hbm>>
      %dma_start3A_218 = tpu.memref_squeeze %dma_start3A_217 : memref<1x2x4096xf32, #tpu.memory_space<hbm>> -> memref<2x4096xf32, #tpu.memory_space<hbm>>
      tpu.enqueue_dma source(%arg14 : memref<2x4096xf32, #tpu.memory_space<vmem>>) target(%dma_start3A_218 : memref<2x4096xf32, #tpu.memory_space<hbm>>) target_semaphore(%arg22 : memref<!tpu.dma_semaphore, #tpu.memory_space<semaphore_mem>>)
      %mul3A_219 = arith.constant 4 : i32
      %mul3A_220 = arith.muli %scan3A_118, %mul3A_219 : i32
      %add3A_221 = arith.constant 2 : i32
      %add3A_222 = arith.addi %mul3A_220, %add3A_221 : i32
      %add3A_223 = arith.constant 2 : i32
      %add3A_224 = arith.addi %add3A_222, %add3A_223 : i32
      %lt3A_225 = arith.constant 64 : i32
      %lt3A_226 = arith.cmpi slt, %add3A_224, %lt3A_225 : i32
      %convert_element_type3A_227 = arith.extui %lt3A_226 : i1 to i32
      %cond3A_228 = arith.constant 0 : i32
      %cond3A_229 = arith.cmpi ne, %convert_element_type3A_227, %cond3A_228 : i32
      scf.if %cond3A_229 {
        %add3A_323 = arith.constant 2 : i32
        %add3A_324 = arith.addi %add3A_222, %add3A_323 : i32
        %ge3A = arith.constant 4 : i32
        %ge3A_325 = arith.cmpi sge, %add3A_324, %ge3A : i32
        %convert_element_type3A_326 = arith.extui %ge3A_325 : i1 to i32
        %cond3A_327 = arith.constant 0 : i32
        %cond3A_328 = arith.cmpi ne, %convert_element_type3A_326, %cond3A_327 : i32
        scf.if %cond3A_328 {
          %dma_wait3A_352 = arith.constant 0 : i32
          %dma_wait3A_353 = arith.constant 0 : i32
          %dma_wait3A_354 = arith.constant 0 : i32
          %dma_wait3A_355 = tpu.memref_slice %arg4[%dma_wait3A_352, %dma_wait3A_353, %dma_wait3A_354] : memref<2x4096x4096xf32, #tpu.memory_space<hbm>> -> memref<1x2x4096xf32, #tpu.memory_space<hbm>>
          %dma_wait3A_356 = tpu.memref_squeeze %dma_wait3A_355 : memref<1x2x4096xf32, #tpu.memory_space<hbm>> -> memref<2x4096xf32, #tpu.memory_space<hbm>>
          %dma_wait3A_357 = arith.constant 0 : i32
          %dma_wait3A_358 = arith.constant 0 : i32
          %dma_wait3A_359 = tpu.memref_slice %arg4[%dma_wait3A_352, %dma_wait3A_357, %dma_wait3A_358] : memref<2x4096x4096xf32, #tpu.memory_space<hbm>> -> memref<1x2x4096xf32, #tpu.memory_space<hbm>>
          %dma_wait3A_360 = tpu.memref_squeeze %dma_wait3A_359 : memref<1x2x4096xf32, #tpu.memory_space<hbm>> -> memref<2x4096xf32, #tpu.memory_space<hbm>>
          tpu.wait_dma2 semaphore(%arg21 : memref<!tpu.dma_semaphore, #tpu.memory_space<semaphore_mem>>) src(%arg9 : memref<2x4096xf32, #tpu.memory_space<vmem>>) dst(%dma_wait3A_360 : memref<2x4096xf32, #tpu.memory_space<hbm>>)
          %dma_wait3A_361 = arith.constant 1 : i32
          %dma_wait3A_362 = arith.constant 0 : i32
          %dma_wait3A_363 = arith.constant 0 : i32
          %dma_wait3A_364 = tpu.memref_slice %arg4[%dma_wait3A_361, %dma_wait3A_362, %dma_wait3A_363] : memref<2x4096x4096xf32, #tpu.memory_space<hbm>> -> memref<1x2x4096xf32, #tpu.memory_space<hbm>>
          %dma_wait3A_365 = tpu.memref_squeeze %dma_wait3A_364 : memref<1x2x4096xf32, #tpu.memory_space<hbm>> -> memref<2x4096xf32, #tpu.memory_space<hbm>>
          %dma_wait3A_366 = arith.constant 0 : i32
          %dma_wait3A_367 = arith.constant 0 : i32
          %dma_wait3A_368 = tpu.memref_slice %arg4[%dma_wait3A_361, %dma_wait3A_366, %dma_wait3A_367] : memref<2x4096x4096xf32, #tpu.memory_space<hbm>> -> memref<1x2x4096xf32, #tpu.memory_space<hbm>>
          %dma_wait3A_369 = tpu.memref_squeeze %dma_wait3A_368 : memref<1x2x4096xf32, #tpu.memory_space<hbm>> -> memref<2x4096xf32, #tpu.memory_space<hbm>>
          tpu.wait_dma2 semaphore(%arg21 : memref<!tpu.dma_semaphore, #tpu.memory_space<semaphore_mem>>) src(%arg13 : memref<2x4096xf32, #tpu.memory_space<vmem>>) dst(%dma_wait3A_369 : memref<2x4096xf32, #tpu.memory_space<hbm>>)
        } else {
        }
        %add3A_329 = arith.constant 2 : i32
        %add3A_330 = arith.addi %add3A_222, %add3A_329 : i32
        %mul3A_331 = arith.constant 2 : i32
        %mul3A_332 = arith.muli %add3A_330, %mul3A_331 : i32
        %add3A_333 = arith.addi %mul3A_2, %mul3A_332 : i32
        %dma_start3A_334 = arith.constant 0 : i32
        %dma_start3A_335 = tpu.memref_slice %arg3[%add3A_333, %dma_start3A_334] : memref<4096x4096xf32, #tpu.memory_space<hbm>> -> memref<2x4096xf32, #tpu.memory_space<hbm>>
        %dma_start3A_336 = arith.constant 0 : i32
        %dma_start3A_337 = tpu.memref_slice %arg3[%add3A_333, %dma_start3A_336] : memref<4096x4096xf32, #tpu.memory_space<hbm>> -> memref<2x4096xf32, #tpu.memory_space<hbm>>
        tpu.enqueue_dma source(%dma_start3A_337 : memref<2x4096xf32, #tpu.memory_space<hbm>>) target(%arg5 : memref<2x4096xf32, #tpu.memory_space<vmem>>) target_semaphore(%arg17 : memref<!tpu.dma_semaphore, #tpu.memory_space<semaphore_mem>>)
        %dma_start3A_338 = arith.constant 0 : i32
        %dma_start3A_339 = arith.constant 0 : i32
        %dma_start3A_340 = tpu.memref_slice %arg2[%dma_start3A_338, %add3A_333, %dma_start3A_339] : memref<2x4096x4096xf32, #tpu.memory_space<hbm>> -> memref<1x2x4096xf32, #tpu.memory_space<hbm>>
        %dma_start3A_341 = tpu.memref_squeeze %dma_start3A_340 : memref<1x2x4096xf32, #tpu.memory_space<hbm>> -> memref<2x4096xf32, #tpu.memory_space<hbm>>
        %dma_start3A_342 = arith.constant 0 : i32
        %dma_start3A_343 = tpu.memref_slice %arg2[%dma_start3A_338, %add3A_333, %dma_start3A_342] : memref<2x4096x4096xf32, #tpu.memory_space<hbm>> -> memref<1x2x4096xf32, #tpu.memory_space<hbm>>
        %dma_start3A_344 = tpu.memref_squeeze %dma_start3A_343 : memref<1x2x4096xf32, #tpu.memory_space<hbm>> -> memref<2x4096xf32, #tpu.memory_space<hbm>>
        tpu.enqueue_dma source(%dma_start3A_344 : memref<2x4096xf32, #tpu.memory_space<hbm>>) target(%arg9 : memref<2x4096xf32, #tpu.memory_space<vmem>>) target_semaphore(%arg17 : memref<!tpu.dma_semaphore, #tpu.memory_space<semaphore_mem>>)
        %dma_start3A_345 = arith.constant 1 : i32
        %dma_start3A_346 = arith.constant 0 : i32
        %dma_start3A_347 = tpu.memref_slice %arg2[%dma_start3A_345, %add3A_333, %dma_start3A_346] : memref<2x4096x4096xf32, #tpu.memory_space<hbm>> -> memref<1x2x4096xf32, #tpu.memory_space<hbm>>
        %dma_start3A_348 = tpu.memref_squeeze %dma_start3A_347 : memref<1x2x4096xf32, #tpu.memory_space<hbm>> -> memref<2x4096xf32, #tpu.memory_space<hbm>>
        %dma_start3A_349 = arith.constant 0 : i32
        %dma_start3A_350 = tpu.memref_slice %arg2[%dma_start3A_345, %add3A_333, %dma_start3A_349] : memref<2x4096x4096xf32, #tpu.memory_space<hbm>> -> memref<1x2x4096xf32, #tpu.memory_space<hbm>>
        %dma_start3A_351 = tpu.memref_squeeze %dma_start3A_350 : memref<1x2x4096xf32, #tpu.memory_space<hbm>> -> memref<2x4096xf32, #tpu.memory_space<hbm>>
        tpu.enqueue_dma source(%dma_start3A_351 : memref<2x4096xf32, #tpu.memory_space<hbm>>) target(%arg13 : memref<2x4096xf32, #tpu.memory_space<vmem>>) target_semaphore(%arg17 : memref<!tpu.dma_semaphore, #tpu.memory_space<semaphore_mem>>)
      } else {
      }
      %dma_wait3A_230 = arith.constant 0 : i32
      %dma_wait3A_231 = arith.constant 0 : i32
      %dma_wait3A_232 = tpu.memref_slice %arg3[%dma_wait3A_230, %dma_wait3A_231] : memref<4096x4096xf32, #tpu.memory_space<hbm>> -> memref<2x4096xf32, #tpu.memory_space<hbm>>
      %dma_wait3A_233 = arith.constant 0 : i32
      %dma_wait3A_234 = arith.constant 0 : i32
      %dma_wait3A_235 = tpu.memref_slice %arg3[%dma_wait3A_233, %dma_wait3A_234] : memref<4096x4096xf32, #tpu.memory_space<hbm>> -> memref<2x4096xf32, #tpu.memory_space<hbm>>
      tpu.wait_dma2 semaphore(%arg19 : memref<!tpu.dma_semaphore, #tpu.memory_space<semaphore_mem>>) src(%dma_wait3A_235 : memref<2x4096xf32, #tpu.memory_space<hbm>>) dst(%arg7 : memref<2x4096xf32, #tpu.memory_space<vmem>>)
      %dma_wait3A_236 = arith.constant 0 : i32
      %dma_wait3A_237 = arith.constant 0 : i32
      %dma_wait3A_238 = tpu.memref_slice %arg3[%dma_wait3A_236, %dma_wait3A_237] : memref<4096x4096xf32, #tpu.memory_space<hbm>> -> memref<2x4096xf32, #tpu.memory_space<hbm>>
      %dma_wait3A_239 = arith.constant 0 : i32
      %dma_wait3A_240 = arith.constant 0 : i32
      %dma_wait3A_241 = tpu.memref_slice %arg3[%dma_wait3A_239, %dma_wait3A_240] : memref<4096x4096xf32, #tpu.memory_space<hbm>> -> memref<2x4096xf32, #tpu.memory_space<hbm>>
      tpu.wait_dma2 semaphore(%arg19 : memref<!tpu.dma_semaphore, #tpu.memory_space<semaphore_mem>>) src(%dma_wait3A_241 : memref<2x4096xf32, #tpu.memory_space<hbm>>) dst(%arg11 : memref<2x4096xf32, #tpu.memory_space<vmem>>)
      %dma_wait3A_242 = arith.constant 0 : i32
      %dma_wait3A_243 = arith.constant 0 : i32
      %dma_wait3A_244 = tpu.memref_slice %arg3[%dma_wait3A_242, %dma_wait3A_243] : memref<4096x4096xf32, #tpu.memory_space<hbm>> -> memref<2x4096xf32, #tpu.memory_space<hbm>>
      %dma_wait3A_245 = arith.constant 0 : i32
      %dma_wait3A_246 = arith.constant 0 : i32
      %dma_wait3A_247 = tpu.memref_slice %arg3[%dma_wait3A_245, %dma_wait3A_246] : memref<4096x4096xf32, #tpu.memory_space<hbm>> -> memref<2x4096xf32, #tpu.memory_space<hbm>>
      tpu.wait_dma2 semaphore(%arg19 : memref<!tpu.dma_semaphore, #tpu.memory_space<semaphore_mem>>) src(%dma_wait3A_247 : memref<2x4096xf32, #tpu.memory_space<hbm>>) dst(%arg15 : memref<2x4096xf32, #tpu.memory_space<vmem>>)
      %parallel_loop3A_248 = arith.constant 0 : i32
      %parallel_loop3A_249 = arith.constant 4096 : i32
      %parallel_loop3A_250 = arith.constant 16 : i32
      scf.for %parallel_loop3A_323 = %parallel_loop3A_248 to %parallel_loop3A_249 step %parallel_loop3A_250  : i32 {
        %parallel_loop3A_324 = arith.constant 0 : i32
        %parallel_loop3A_325 = arith.index_cast %parallel_loop3A_324 : i32 to index
        %parallel_loop3A_326 = arith.index_cast %parallel_loop3A_323 : i32 to index
        %parallel_loop3A_327 = tpu.vector_load %arg7[%parallel_loop3A_325, %parallel_loop3A_326] {strides = array<i32>} : memref<2x4096xf32, #tpu.memory_space<vmem>>, vector<1x16xf32>,
        %parallel_loop3A_328 = vector.shape_cast %parallel_loop3A_327 : vector<1x16xf32> to vector<16xf32>
        %parallel_loop3A_329 = arith.constant 0 : i32
        %parallel_loop3A_330 = arith.index_cast %parallel_loop3A_329 : i32 to index
        %parallel_loop3A_331 = arith.index_cast %parallel_loop3A_323 : i32 to index
        %parallel_loop3A_332 = tpu.vector_load %arg11[%parallel_loop3A_330, %parallel_loop3A_331] {strides = array<i32>} : memref<2x4096xf32, #tpu.memory_space<vmem>>, vector<1x16xf32>,
        %parallel_loop3A_333 = vector.shape_cast %parallel_loop3A_332 : vector<1x16xf32> to vector<16xf32>
        %parallel_loop3A_334 = arith.addf %parallel_loop3A_333, %parallel_loop3A_328 : vector<16xf32>
        %parallel_loop3A_335 = arith.constant 0 : i32
        %parallel_loop3A_336 = arith.index_cast %parallel_loop3A_335 : i32 to index
        %parallel_loop3A_337 = arith.index_cast %parallel_loop3A_323 : i32 to index
        %parallel_loop3A_338 = tpu.vector_load %arg11[%parallel_loop3A_336, %parallel_loop3A_337] {strides = array<i32>} : memref<2x4096xf32, #tpu.memory_space<vmem>>, vector<1x16xf32>,
        %parallel_loop3A_339 = vector.shape_cast %parallel_loop3A_338 : vector<1x16xf32> to vector<16xf32>
        %parallel_loop3A_340 = vector.shape_cast %parallel_loop3A_334 : vector<16xf32> to vector<1x16xf32>
        tpu.vector_store %arg11[%parallel_loop3A_336, %parallel_loop3A_337], %parallel_loop3A_340 {strides = array<i32>} : memref<2x4096xf32, #tpu.memory_space<vmem>>, vector<1x16xf32>,
        %parallel_loop3A_341 = arith.constant 0 : i32
        %parallel_loop3A_342 = arith.index_cast %parallel_loop3A_341 : i32 to index
        %parallel_loop3A_343 = arith.index_cast %parallel_loop3A_323 : i32 to index
        %parallel_loop3A_344 = tpu.vector_load %arg15[%parallel_loop3A_342, %parallel_loop3A_343] {strides = array<i32>} : memref<2x4096xf32, #tpu.memory_space<vmem>>, vector<1x16xf32>,
        %parallel_loop3A_345 = vector.shape_cast %parallel_loop3A_344 : vector<1x16xf32> to vector<16xf32>
        %parallel_loop3A_346 = arith.addf %parallel_loop3A_345, %parallel_loop3A_328 : vector<16xf32>
        %parallel_loop3A_347 = arith.constant 0 : i32
        %parallel_loop3A_348 = arith.index_cast %parallel_loop3A_347 : i32 to index
        %parallel_loop3A_349 = arith.index_cast %parallel_loop3A_323 : i32 to index
        %parallel_loop3A_350 = tpu.vector_load %arg15[%parallel_loop3A_348, %parallel_loop3A_349] {strides = array<i32>} : memref<2x4096xf32, #tpu.memory_space<vmem>>, vector<1x16xf32>,
        %parallel_loop3A_351 = vector.shape_cast %parallel_loop3A_350 : vector<1x16xf32> to vector<16xf32>
        %parallel_loop3A_352 = vector.shape_cast %parallel_loop3A_346 : vector<16xf32> to vector<1x16xf32>
        tpu.vector_store %arg15[%parallel_loop3A_348, %parallel_loop3A_349], %parallel_loop3A_352 {strides = array<i32>} : memref<2x4096xf32, #tpu.memory_space<vmem>>, vector<1x16xf32>,
      } {sc.loop_unroll_factor = 4 : i64, sc.parallel_access}
      %parallel_loop3A_251 = arith.constant 0 : i32
      %parallel_loop3A_252 = arith.constant 4096 : i32
      %parallel_loop3A_253 = arith.constant 16 : i32
      scf.for %parallel_loop3A_323 = %parallel_loop3A_251 to %parallel_loop3A_252 step %parallel_loop3A_253  : i32 {
        %parallel_loop3A_324 = arith.constant 1 : i32
        %parallel_loop3A_325 = arith.index_cast %parallel_loop3A_324 : i32 to index
        %parallel_loop3A_326 = arith.index_cast %parallel_loop3A_323 : i32 to index
        %parallel_loop3A_327 = tpu.vector_load %arg7[%parallel_loop3A_325, %parallel_loop3A_326] {strides = array<i32>} : memref<2x4096xf32, #tpu.memory_space<vmem>>, vector<1x16xf32>,
        %parallel_loop3A_328 = vector.shape_cast %parallel_loop3A_327 : vector<1x16xf32> to vector<16xf32>
        %parallel_loop3A_329 = arith.constant 1 : i32
        %parallel_loop3A_330 = arith.index_cast %parallel_loop3A_329 : i32 to index
        %parallel_loop3A_331 = arith.index_cast %parallel_loop3A_323 : i32 to index
        %parallel_loop3A_332 = tpu.vector_load %arg11[%parallel_loop3A_330, %parallel_loop3A_331] {strides = array<i32>} : memref<2x4096xf32, #tpu.memory_space<vmem>>, vector<1x16xf32>,
        %parallel_loop3A_333 = vector.shape_cast %parallel_loop3A_332 : vector<1x16xf32> to vector<16xf32>
        %parallel_loop3A_334 = arith.addf %parallel_loop3A_333, %parallel_loop3A_328 : vector<16xf32>
        %parallel_loop3A_335 = arith.constant 1 : i32
        %parallel_loop3A_336 = arith.index_cast %parallel_loop3A_335 : i32 to index
        %parallel_loop3A_337 = arith.index_cast %parallel_loop3A_323 : i32 to index
        %parallel_loop3A_338 = tpu.vector_load %arg11[%parallel_loop3A_336, %parallel_loop3A_337] {strides = array<i32>} : memref<2x4096xf32, #tpu.memory_space<vmem>>, vector<1x16xf32>,
        %parallel_loop3A_339 = vector.shape_cast %parallel_loop3A_338 : vector<1x16xf32> to vector<16xf32>
        %parallel_loop3A_340 = vector.shape_cast %parallel_loop3A_334 : vector<16xf32> to vector<1x16xf32>
        tpu.vector_store %arg11[%parallel_loop3A_336, %parallel_loop3A_337], %parallel_loop3A_340 {strides = array<i32>} : memref<2x4096xf32, #tpu.memory_space<vmem>>, vector<1x16xf32>,
        %parallel_loop3A_341 = arith.constant 1 : i32
        %parallel_loop3A_342 = arith.index_cast %parallel_loop3A_341 : i32 to index
        %parallel_loop3A_343 = arith.index_cast %parallel_loop3A_323 : i32 to index
        %parallel_loop3A_344 = tpu.vector_load %arg15[%parallel_loop3A_342, %parallel_loop3A_343] {strides = array<i32>} : memref<2x4096xf32, #tpu.memory_space<vmem>>, vector<1x16xf32>,
        %parallel_loop3A_345 = vector.shape_cast %parallel_loop3A_344 : vector<1x16xf32> to vector<16xf32>
        %parallel_loop3A_346 = arith.addf %parallel_loop3A_345, %parallel_loop3A_328 : vector<16xf32>
        %parallel_loop3A_347 = arith.constant 1 : i32
        %parallel_loop3A_348 = arith.index_cast %parallel_loop3A_347 : i32 to index
        %parallel_loop3A_349 = arith.index_cast %parallel_loop3A_323 : i32 to index
        %parallel_loop3A_350 = tpu.vector_load %arg15[%parallel_loop3A_348, %parallel_loop3A_349] {strides = array<i32>} : memref<2x4096xf32, #tpu.memory_space<vmem>>, vector<1x16xf32>,
        %parallel_loop3A_351 = vector.shape_cast %parallel_loop3A_350 : vector<1x16xf32> to vector<16xf32>
        %parallel_loop3A_352 = vector.shape_cast %parallel_loop3A_346 : vector<16xf32> to vector<1x16xf32>
        tpu.vector_store %arg15[%parallel_loop3A_348, %parallel_loop3A_349], %parallel_loop3A_352 {strides = array<i32>} : memref<2x4096xf32, #tpu.memory_space<vmem>>, vector<1x16xf32>,
      } {sc.loop_unroll_factor = 4 : i64, sc.parallel_access}
      %mul3A_254 = arith.constant 2 : i32
      %mul3A_255 = arith.muli %add3A_222, %mul3A_254 : i32
      %add3A_256 = arith.addi %mul3A_2, %mul3A_255 : i32
      %dma_start3A_257 = arith.constant 0 : i32
      %dma_start3A_258 = arith.constant 0 : i32
      %dma_start3A_259 = tpu.memref_slice %arg4[%dma_start3A_257, %add3A_256, %dma_start3A_258] : memref<2x4096x4096xf32, #tpu.memory_space<hbm>> -> memref<1x2x4096xf32, #tpu.memory_space<hbm>>
      %dma_start3A_260 = tpu.memref_squeeze %dma_start3A_259 : memref<1x2x4096xf32, #tpu.memory_space<hbm>> -> memref<2x4096xf32, #tpu.memory_space<hbm>>
      %dma_start3A_261 = arith.constant 0 : i32
      %dma_start3A_262 = tpu.memref_slice %arg4[%dma_start3A_257, %add3A_256, %dma_start3A_261] : memref<2x4096x4096xf32, #tpu.memory_space<hbm>> -> memref<1x2x4096xf32, #tpu.memory_space<hbm>>
      %dma_start3A_263 = tpu.memref_squeeze %dma_start3A_262 : memref<1x2x4096xf32, #tpu.memory_space<hbm>> -> memref<2x4096xf32, #tpu.memory_space<hbm>>
      tpu.enqueue_dma source(%arg11 : memref<2x4096xf32, #tpu.memory_space<vmem>>) target(%dma_start3A_263 : memref<2x4096xf32, #tpu.memory_space<hbm>>) target_semaphore(%arg23 : memref<!tpu.dma_semaphore, #tpu.memory_space<semaphore_mem>>)
      %dma_start3A_264 = arith.constant 1 : i32
      %dma_start3A_265 = arith.constant 0 : i32
      %dma_start3A_266 = tpu.memref_slice %arg4[%dma_start3A_264, %add3A_256, %dma_start3A_265] : memref<2x4096x4096xf32, #tpu.memory_space<hbm>> -> memref<1x2x4096xf32, #tpu.memory_space<hbm>>
      %dma_start3A_267 = tpu.memref_squeeze %dma_start3A_266 : memref<1x2x4096xf32, #tpu.memory_space<hbm>> -> memref<2x4096xf32, #tpu.memory_space<hbm>>
      %dma_start3A_268 = arith.constant 0 : i32
      %dma_start3A_269 = tpu.memref_slice %arg4[%dma_start3A_264, %add3A_256, %dma_start3A_268] : memref<2x4096x4096xf32, #tpu.memory_space<hbm>> -> memref<1x2x4096xf32, #tpu.memory_space<hbm>>
      %dma_start3A_270 = tpu.memref_squeeze %dma_start3A_269 : memref<1x2x4096xf32, #tpu.memory_space<hbm>> -> memref<2x4096xf32, #tpu.memory_space<hbm>>
      tpu.enqueue_dma source(%arg15 : memref<2x4096xf32, #tpu.memory_space<vmem>>) target(%dma_start3A_270 : memref<2x4096xf32, #tpu.memory_space<hbm>>) target_semaphore(%arg23 : memref<!tpu.dma_semaphore, #tpu.memory_space<semaphore_mem>>)
      %mul3A_271 = arith.constant 4 : i32
      %mul3A_272 = arith.muli %scan3A_118, %mul3A_271 : i32
      %add3A_273 = arith.constant 3 : i32
      %add3A_274 = arith.addi %mul3A_272, %add3A_273 : i32
      %add3A_275 = arith.constant 2 : i32
      %add3A_276 = arith.addi %add3A_274, %add3A_275 : i32
      %lt3A_277 = arith.constant 64 : i32
      %lt3A_278 = arith.cmpi slt, %add3A_276, %lt3A_277 : i32
      %convert_element_type3A_279 = arith.extui %lt3A_278 : i1 to i32
      %cond3A_280 = arith.constant 0 : i32
      %cond3A_281 = arith.cmpi ne, %convert_element_type3A_279, %cond3A_280 : i32
      scf.if %cond3A_281 {
        %add3A_323 = arith.constant 2 : i32
        %add3A_324 = arith.addi %add3A_274, %add3A_323 : i32
        %ge3A = arith.constant 4 : i32
        %ge3A_325 = arith.cmpi sge, %add3A_324, %ge3A : i32
        %convert_element_type3A_326 = arith.extui %ge3A_325 : i1 to i32
        %cond3A_327 = arith.constant 0 : i32
        %cond3A_328 = arith.cmpi ne, %convert_element_type3A_326, %cond3A_327 : i32
        scf.if %cond3A_328 {
          %dma_wait3A_352 = arith.constant 0 : i32
          %dma_wait3A_353 = arith.constant 0 : i32
          %dma_wait3A_354 = arith.constant 0 : i32
          %dma_wait3A_355 = tpu.memref_slice %arg4[%dma_wait3A_352, %dma_wait3A_353, %dma_wait3A_354] : memref<2x4096x4096xf32, #tpu.memory_space<hbm>> -> memref<1x2x4096xf32, #tpu.memory_space<hbm>>
          %dma_wait3A_356 = tpu.memref_squeeze %dma_wait3A_355 : memref<1x2x4096xf32, #tpu.memory_space<hbm>> -> memref<2x4096xf32, #tpu.memory_space<hbm>>
          %dma_wait3A_357 = arith.constant 0 : i32
          %dma_wait3A_358 = arith.constant 0 : i32
          %dma_wait3A_359 = tpu.memref_slice %arg4[%dma_wait3A_352, %dma_wait3A_357, %dma_wait3A_358] : memref<2x4096x4096xf32, #tpu.memory_space<hbm>> -> memref<1x2x4096xf32, #tpu.memory_space<hbm>>
          %dma_wait3A_360 = tpu.memref_squeeze %dma_wait3A_359 : memref<1x2x4096xf32, #tpu.memory_space<hbm>> -> memref<2x4096xf32, #tpu.memory_space<hbm>>
          tpu.wait_dma2 semaphore(%arg22 : memref<!tpu.dma_semaphore, #tpu.memory_space<semaphore_mem>>) src(%arg10 : memref<2x4096xf32, #tpu.memory_space<vmem>>) dst(%dma_wait3A_360 : memref<2x4096xf32, #tpu.memory_space<hbm>>)
          %dma_wait3A_361 = arith.constant 1 : i32
          %dma_wait3A_362 = arith.constant 0 : i32
          %dma_wait3A_363 = arith.constant 0 : i32
          %dma_wait3A_364 = tpu.memref_slice %arg4[%dma_wait3A_361, %dma_wait3A_362, %dma_wait3A_363] : memref<2x4096x4096xf32, #tpu.memory_space<hbm>> -> memref<1x2x4096xf32, #tpu.memory_space<hbm>>
          %dma_wait3A_365 = tpu.memref_squeeze %dma_wait3A_364 : memref<1x2x4096xf32, #tpu.memory_space<hbm>> -> memref<2x4096xf32, #tpu.memory_space<hbm>>
          %dma_wait3A_366 = arith.constant 0 : i32
          %dma_wait3A_367 = arith.constant 0 : i32
          %dma_wait3A_368 = tpu.memref_slice %arg4[%dma_wait3A_361, %dma_wait3A_366, %dma_wait3A_367] : memref<2x4096x4096xf32, #tpu.memory_space<hbm>> -> memref<1x2x4096xf32, #tpu.memory_space<hbm>>
          %dma_wait3A_369 = tpu.memref_squeeze %dma_wait3A_368 : memref<1x2x4096xf32, #tpu.memory_space<hbm>> -> memref<2x4096xf32, #tpu.memory_space<hbm>>
          tpu.wait_dma2 semaphore(%arg22 : memref<!tpu.dma_semaphore, #tpu.memory_space<semaphore_mem>>) src(%arg14 : memref<2x4096xf32, #tpu.memory_space<vmem>>) dst(%dma_wait3A_369 : memref<2x4096xf32, #tpu.memory_space<hbm>>)
        } else {
        }
        %add3A_329 = arith.constant 2 : i32
        %add3A_330 = arith.addi %add3A_274, %add3A_329 : i32
        %mul3A_331 = arith.constant 2 : i32
        %mul3A_332 = arith.muli %add3A_330, %mul3A_331 : i32
        %add3A_333 = arith.addi %mul3A_2, %mul3A_332 : i32
        %dma_start3A_334 = arith.constant 0 : i32
        %dma_start3A_335 = tpu.memref_slice %arg3[%add3A_333, %dma_start3A_334] : memref<4096x4096xf32, #tpu.memory_space<hbm>> -> memref<2x4096xf32, #tpu.memory_space<hbm>>
        %dma_start3A_336 = arith.constant 0 : i32
        %dma_start3A_337 = tpu.memref_slice %arg3[%add3A_333, %dma_start3A_336] : memref<4096x4096xf32, #tpu.memory_space<hbm>> -> memref<2x4096xf32, #tpu.memory_space<hbm>>
        tpu.enqueue_dma source(%dma_start3A_337 : memref<2x4096xf32, #tpu.memory_space<hbm>>) target(%arg6 : memref<2x4096xf32, #tpu.memory_space<vmem>>) target_semaphore(%arg18 : memref<!tpu.dma_semaphore, #tpu.memory_space<semaphore_mem>>)
        %dma_start3A_338 = arith.constant 0 : i32
        %dma_start3A_339 = arith.constant 0 : i32
        %dma_start3A_340 = tpu.memref_slice %arg2[%dma_start3A_338, %add3A_333, %dma_start3A_339] : memref<2x4096x4096xf32, #tpu.memory_space<hbm>> -> memref<1x2x4096xf32, #tpu.memory_space<hbm>>
        %dma_start3A_341 = tpu.memref_squeeze %dma_start3A_340 : memref<1x2x4096xf32, #tpu.memory_space<hbm>> -> memref<2x4096xf32, #tpu.memory_space<hbm>>
        %dma_start3A_342 = arith.constant 0 : i32
        %dma_start3A_343 = tpu.memref_slice %arg2[%dma_start3A_338, %add3A_333, %dma_start3A_342] : memref<2x4096x4096xf32, #tpu.memory_space<hbm>> -> memref<1x2x4096xf32, #tpu.memory_space<hbm>>
        %dma_start3A_344 = tpu.memref_squeeze %dma_start3A_343 : memref<1x2x4096xf32, #tpu.memory_space<hbm>> -> memref<2x4096xf32, #tpu.memory_space<hbm>>
        tpu.enqueue_dma source(%dma_start3A_344 : memref<2x4096xf32, #tpu.memory_space<hbm>>) target(%arg10 : memref<2x4096xf32, #tpu.memory_space<vmem>>) target_semaphore(%arg18 : memref<!tpu.dma_semaphore, #tpu.memory_space<semaphore_mem>>)
        %dma_start3A_345 = arith.constant 1 : i32
        %dma_start3A_346 = arith.constant 0 : i32
        %dma_start3A_347 = tpu.memref_slice %arg2[%dma_start3A_345, %add3A_333, %dma_start3A_346] : memref<2x4096x4096xf32, #tpu.memory_space<hbm>> -> memref<1x2x4096xf32, #tpu.memory_space<hbm>>
        %dma_start3A_348 = tpu.memref_squeeze %dma_start3A_347 : memref<1x2x4096xf32, #tpu.memory_space<hbm>> -> memref<2x4096xf32, #tpu.memory_space<hbm>>
        %dma_start3A_349 = arith.constant 0 : i32
        %dma_start3A_350 = tpu.memref_slice %arg2[%dma_start3A_345, %add3A_333, %dma_start3A_349] : memref<2x4096x4096xf32, #tpu.memory_space<hbm>> -> memref<1x2x4096xf32, #tpu.memory_space<hbm>>
        %dma_start3A_351 = tpu.memref_squeeze %dma_start3A_350 : memref<1x2x4096xf32, #tpu.memory_space<hbm>> -> memref<2x4096xf32, #tpu.memory_space<hbm>>
        tpu.enqueue_dma source(%dma_start3A_351 : memref<2x4096xf32, #tpu.memory_space<hbm>>) target(%arg14 : memref<2x4096xf32, #tpu.memory_space<vmem>>) target_semaphore(%arg18 : memref<!tpu.dma_semaphore, #tpu.memory_space<semaphore_mem>>)
      } else {
      }
      %dma_wait3A_282 = arith.constant 0 : i32
      %dma_wait3A_283 = arith.constant 0 : i32
      %dma_wait3A_284 = tpu.memref_slice %arg3[%dma_wait3A_282, %dma_wait3A_283] : memref<4096x4096xf32, #tpu.memory_space<hbm>> -> memref<2x4096xf32, #tpu.memory_space<hbm>>
      %dma_wait3A_285 = arith.constant 0 : i32
      %dma_wait3A_286 = arith.constant 0 : i32
      %dma_wait3A_287 = tpu.memref_slice %arg3[%dma_wait3A_285, %dma_wait3A_286] : memref<4096x4096xf32, #tpu.memory_space<hbm>> -> memref<2x4096xf32, #tpu.memory_space<hbm>>
      tpu.wait_dma2 semaphore(%arg20 : memref<!tpu.dma_semaphore, #tpu.memory_space<semaphore_mem>>) src(%dma_wait3A_287 : memref<2x4096xf32, #tpu.memory_space<hbm>>) dst(%arg8 : memref<2x4096xf32, #tpu.memory_space<vmem>>)
      %dma_wait3A_288 = arith.constant 0 : i32
      %dma_wait3A_289 = arith.constant 0 : i32
      %dma_wait3A_290 = tpu.memref_slice %arg3[%dma_wait3A_288, %dma_wait3A_289] : memref<4096x4096xf32, #tpu.memory_space<hbm>> -> memref<2x4096xf32, #tpu.memory_space<hbm>>
      %dma_wait3A_291 = arith.constant 0 : i32
      %dma_wait3A_292 = arith.constant 0 : i32
      %dma_wait3A_293 = tpu.memref_slice %arg3[%dma_wait3A_291, %dma_wait3A_292] : memref<4096x4096xf32, #tpu.memory_space<hbm>> -> memref<2x4096xf32, #tpu.memory_space<hbm>>
      tpu.wait_dma2 semaphore(%arg20 : memref<!tpu.dma_semaphore, #tpu.memory_space<semaphore_mem>>) src(%dma_wait3A_293 : memref<2x4096xf32, #tpu.memory_space<hbm>>) dst(%arg12 : memref<2x4096xf32, #tpu.memory_space<vmem>>)
      %dma_wait3A_294 = arith.constant 0 : i32
      %dma_wait3A_295 = arith.constant 0 : i32
      %dma_wait3A_296 = tpu.memref_slice %arg3[%dma_wait3A_294, %dma_wait3A_295] : memref<4096x4096xf32, #tpu.memory_space<hbm>> -> memref<2x4096xf32, #tpu.memory_space<hbm>>
      %dma_wait3A_297 = arith.constant 0 : i32
      %dma_wait3A_298 = arith.constant 0 : i32
      %dma_wait3A_299 = tpu.memref_slice %arg3[%dma_wait3A_297, %dma_wait3A_298] : memref<4096x4096xf32, #tpu.memory_space<hbm>> -> memref<2x4096xf32, #tpu.memory_space<hbm>>
      tpu.wait_dma2 semaphore(%arg20 : memref<!tpu.dma_semaphore, #tpu.memory_space<semaphore_mem>>) src(%dma_wait3A_299 : memref<2x4096xf32, #tpu.memory_space<hbm>>) dst(%arg16 : memref<2x4096xf32, #tpu.memory_space<vmem>>)
      %parallel_loop3A_300 = arith.constant 0 : i32
      %parallel_loop3A_301 = arith.constant 4096 : i32
      %parallel_loop3A_302 = arith.constant 16 : i32
      scf.for %parallel_loop3A_323 = %parallel_loop3A_300 to %parallel_loop3A_301 step %parallel_loop3A_302  : i32 {
        %parallel_loop3A_324 = arith.constant 0 : i32
        %parallel_loop3A_325 = arith.index_cast %parallel_loop3A_324 : i32 to index
        %parallel_loop3A_326 = arith.index_cast %parallel_loop3A_323 : i32 to index
        %parallel_loop3A_327 = tpu.vector_load %arg8[%parallel_loop3A_325, %parallel_loop3A_326] {strides = array<i32>} : memref<2x4096xf32, #tpu.memory_space<vmem>>, vector<1x16xf32>,
        %parallel_loop3A_328 = vector.shape_cast %parallel_loop3A_327 : vector<1x16xf32> to vector<16xf32>
        %parallel_loop3A_329 = arith.constant 0 : i32
        %parallel_loop3A_330 = arith.index_cast %parallel_loop3A_329 : i32 to index
        %parallel_loop3A_331 = arith.index_cast %parallel_loop3A_323 : i32 to index
        %parallel_loop3A_332 = tpu.vector_load %arg12[%parallel_loop3A_330, %parallel_loop3A_331] {strides = array<i32>} : memref<2x4096xf32, #tpu.memory_space<vmem>>, vector<1x16xf32>,
        %parallel_loop3A_333 = vector.shape_cast %parallel_loop3A_332 : vector<1x16xf32> to vector<16xf32>
        %parallel_loop3A_334 = arith.addf %parallel_loop3A_333, %parallel_loop3A_328 : vector<16xf32>
        %parallel_loop3A_335 = arith.constant 0 : i32
        %parallel_loop3A_336 = arith.index_cast %parallel_loop3A_335 : i32 to index
        %parallel_loop3A_337 = arith.index_cast %parallel_loop3A_323 : i32 to index
        %parallel_loop3A_338 = tpu.vector_load %arg12[%parallel_loop3A_336, %parallel_loop3A_337] {strides = array<i32>} : memref<2x4096xf32, #tpu.memory_space<vmem>>, vector<1x16xf32>,
        %parallel_loop3A_339 = vector.shape_cast %parallel_loop3A_338 : vector<1x16xf32> to vector<16xf32>
        %parallel_loop3A_340 = vector.shape_cast %parallel_loop3A_334 : vector<16xf32> to vector<1x16xf32>
        tpu.vector_store %arg12[%parallel_loop3A_336, %parallel_loop3A_337], %parallel_loop3A_340 {strides = array<i32>} : memref<2x4096xf32, #tpu.memory_space<vmem>>, vector<1x16xf32>,
        %parallel_loop3A_341 = arith.constant 0 : i32
        %parallel_loop3A_342 = arith.index_cast %parallel_loop3A_341 : i32 to index
        %parallel_loop3A_343 = arith.index_cast %parallel_loop3A_323 : i32 to index
        %parallel_loop3A_344 = tpu.vector_load %arg16[%parallel_loop3A_342, %parallel_loop3A_343] {strides = array<i32>} : memref<2x4096xf32, #tpu.memory_space<vmem>>, vector<1x16xf32>,
        %parallel_loop3A_345 = vector.shape_cast %parallel_loop3A_344 : vector<1x16xf32> to vector<16xf32>
        %parallel_loop3A_346 = arith.addf %parallel_loop3A_345, %parallel_loop3A_328 : vector<16xf32>
        %parallel_loop3A_347 = arith.constant 0 : i32
        %parallel_loop3A_348 = arith.index_cast %parallel_loop3A_347 : i32 to index
        %parallel_loop3A_349 = arith.index_cast %parallel_loop3A_323 : i32 to index
        %parallel_loop3A_350 = tpu.vector_load %arg16[%parallel_loop3A_348, %parallel_loop3A_349] {strides = array<i32>} : memref<2x4096xf32, #tpu.memory_space<vmem>>, vector<1x16xf32>,
        %parallel_loop3A_351 = vector.shape_cast %parallel_loop3A_350 : vector<1x16xf32> to vector<16xf32>
        %parallel_loop3A_352 = vector.shape_cast %parallel_loop3A_346 : vector<16xf32> to vector<1x16xf32>
        tpu.vector_store %arg16[%parallel_loop3A_348, %parallel_loop3A_349], %parallel_loop3A_352 {strides = array<i32>} : memref<2x4096xf32, #tpu.memory_space<vmem>>, vector<1x16xf32>,
      } {sc.loop_unroll_factor = 4 : i64, sc.parallel_access}
      %parallel_loop3A_303 = arith.constant 0 : i32
      %parallel_loop3A_304 = arith.constant 4096 : i32
      %parallel_loop3A_305 = arith.constant 16 : i32
      scf.for %parallel_loop3A_323 = %parallel_loop3A_303 to %parallel_loop3A_304 step %parallel_loop3A_305  : i32 {
        %parallel_loop3A_324 = arith.constant 1 : i32
        %parallel_loop3A_325 = arith.index_cast %parallel_loop3A_324 : i32 to index
        %parallel_loop3A_326 = arith.index_cast %parallel_loop3A_323 : i32 to index
        %parallel_loop3A_327 = tpu.vector_load %arg8[%parallel_loop3A_325, %parallel_loop3A_326] {strides = array<i32>} : memref<2x4096xf32, #tpu.memory_space<vmem>>, vector<1x16xf32>,
        %parallel_loop3A_328 = vector.shape_cast %parallel_loop3A_327 : vector<1x16xf32> to vector<16xf32>
        %parallel_loop3A_329 = arith.constant 1 : i32
        %parallel_loop3A_330 = arith.index_cast %parallel_loop3A_329 : i32 to index
        %parallel_loop3A_331 = arith.index_cast %parallel_loop3A_323 : i32 to index
        %parallel_loop3A_332 = tpu.vector_load %arg12[%parallel_loop3A_330, %parallel_loop3A_331] {strides = array<i32>} : memref<2x4096xf32, #tpu.memory_space<vmem>>, vector<1x16xf32>,
        %parallel_loop3A_333 = vector.shape_cast %parallel_loop3A_332 : vector<1x16xf32> to vector<16xf32>
        %parallel_loop3A_334 = arith.addf %parallel_loop3A_333, %parallel_loop3A_328 : vector<16xf32>
        %parallel_loop3A_335 = arith.constant 1 : i32
        %parallel_loop3A_336 = arith.index_cast %parallel_loop3A_335 : i32 to index
        %parallel_loop3A_337 = arith.index_cast %parallel_loop3A_323 : i32 to index
        %parallel_loop3A_338 = tpu.vector_load %arg12[%parallel_loop3A_336, %parallel_loop3A_337] {strides = array<i32>} : memref<2x4096xf32, #tpu.memory_space<vmem>>, vector<1x16xf32>,
        %parallel_loop3A_339 = vector.shape_cast %parallel_loop3A_338 : vector<1x16xf32> to vector<16xf32>
        %parallel_loop3A_340 = vector.shape_cast %parallel_loop3A_334 : vector<16xf32> to vector<1x16xf32>
        tpu.vector_store %arg12[%parallel_loop3A_336, %parallel_loop3A_337], %parallel_loop3A_340 {strides = array<i32>} : memref<2x4096xf32, #tpu.memory_space<vmem>>, vector<1x16xf32>,
        %parallel_loop3A_341 = arith.constant 1 : i32
        %parallel_loop3A_342 = arith.index_cast %parallel_loop3A_341 : i32 to index
        %parallel_loop3A_343 = arith.index_cast %parallel_loop3A_323 : i32 to index
        %parallel_loop3A_344 = tpu.vector_load %arg16[%parallel_loop3A_342, %parallel_loop3A_343] {strides = array<i32>} : memref<2x4096xf32, #tpu.memory_space<vmem>>, vector<1x16xf32>,
        %parallel_loop3A_345 = vector.shape_cast %parallel_loop3A_344 : vector<1x16xf32> to vector<16xf32>
        %parallel_loop3A_346 = arith.addf %parallel_loop3A_345, %parallel_loop3A_328 : vector<16xf32>
        %parallel_loop3A_347 = arith.constant 1 : i32
        %parallel_loop3A_348 = arith.index_cast %parallel_loop3A_347 : i32 to index
        %parallel_loop3A_349 = arith.index_cast %parallel_loop3A_323 : i32 to index
        %parallel_loop3A_350 = tpu.vector_load %arg16[%parallel_loop3A_348, %parallel_loop3A_349] {strides = array<i32>} : memref<2x4096xf32, #tpu.memory_space<vmem>>, vector<1x16xf32>,
        %parallel_loop3A_351 = vector.shape_cast %parallel_loop3A_350 : vector<1x16xf32> to vector<16xf32>
        %parallel_loop3A_352 = vector.shape_cast %parallel_loop3A_346 : vector<16xf32> to vector<1x16xf32>
        tpu.vector_store %arg16[%parallel_loop3A_348, %parallel_loop3A_349], %parallel_loop3A_352 {strides = array<i32>} : memref<2x4096xf32, #tpu.memory_space<vmem>>, vector<1x16xf32>,
      } {sc.loop_unroll_factor = 4 : i64, sc.parallel_access}
      %mul3A_306 = arith.constant 2 : i32
      %mul3A_307 = arith.muli %add3A_274, %mul3A_306 : i32
      %add3A_308 = arith.addi %mul3A_2, %mul3A_307 : i32
      %dma_start3A_309 = arith.constant 0 : i32
      %dma_start3A_310 = arith.constant 0 : i32
      %dma_start3A_311 = tpu.memref_slice %arg4[%dma_start3A_309, %add3A_308, %dma_start3A_310] : memref<2x4096x4096xf32, #tpu.memory_space<hbm>> -> memref<1x2x4096xf32, #tpu.memory_space<hbm>>
      %dma_start3A_312 = tpu.memref_squeeze %dma_start3A_311 : memref<1x2x4096xf32, #tpu.memory_space<hbm>> -> memref<2x4096xf32, #tpu.memory_space<hbm>>
      %dma_start3A_313 = arith.constant 0 : i32
      %dma_start3A_314 = tpu.memref_slice %arg4[%dma_start3A_309, %add3A_308, %dma_start3A_313] : memref<2x4096x4096xf32, #tpu.memory_space<hbm>> -> memref<1x2x4096xf32, #tpu.memory_space<hbm>>
      %dma_start3A_315 = tpu.memref_squeeze %dma_start3A_314 : memref<1x2x4096xf32, #tpu.memory_space<hbm>> -> memref<2x4096xf32, #tpu.memory_space<hbm>>
      tpu.enqueue_dma source(%arg12 : memref<2x4096xf32, #tpu.memory_space<vmem>>) target(%dma_start3A_315 : memref<2x4096xf32, #tpu.memory_space<hbm>>) target_semaphore(%arg24 : memref<!tpu.dma_semaphore, #tpu.memory_space<semaphore_mem>>)
      %dma_start3A_316 = arith.constant 1 : i32
      %dma_start3A_317 = arith.constant 0 : i32
      %dma_start3A_318 = tpu.memref_slice %arg4[%dma_start3A_316, %add3A_308, %dma_start3A_317] : memref<2x4096x4096xf32, #tpu.memory_space<hbm>> -> memref<1x2x4096xf32, #tpu.memory_space<hbm>>
      %dma_start3A_319 = tpu.memref_squeeze %dma_start3A_318 : memref<1x2x4096xf32, #tpu.memory_space<hbm>> -> memref<2x4096xf32, #tpu.memory_space<hbm>>
      %dma_start3A_320 = arith.constant 0 : i32
      %dma_start3A_321 = tpu.memref_slice %arg4[%dma_start3A_316, %add3A_308, %dma_start3A_320] : memref<2x4096x4096xf32, #tpu.memory_space<hbm>> -> memref<1x2x4096xf32, #tpu.memory_space<hbm>>
      %dma_start3A_322 = tpu.memref_squeeze %dma_start3A_321 : memref<1x2x4096xf32, #tpu.memory_space<hbm>> -> memref<2x4096xf32, #tpu.memory_space<hbm>>
      tpu.enqueue_dma source(%arg16 : memref<2x4096xf32, #tpu.memory_space<vmem>>) target(%dma_start3A_322 : memref<2x4096xf32, #tpu.memory_space<hbm>>) target_semaphore(%arg24 : memref<!tpu.dma_semaphore, #tpu.memory_space<semaphore_mem>>)
    }
    %scan3A_46 = arith.constant 16 : i32
    %dma_wait3A = arith.constant 0 : i32
    %dma_wait3A_47 = arith.constant 0 : i32
    %dma_wait3A_48 = arith.constant 0 : i32
    %dma_wait3A_49 = tpu.memref_slice %arg4[%dma_wait3A, %dma_wait3A_47, %dma_wait3A_48] : memref<2x4096x4096xf32, #tpu.memory_space<hbm>> -> memref<1x2x4096xf32, #tpu.memory_space<hbm>>
    %dma_wait3A_50 = tpu.memref_squeeze %dma_wait3A_49 : memref<1x2x4096xf32, #tpu.memory_space<hbm>> -> memref<2x4096xf32, #tpu.memory_space<hbm>>
    %dma_wait3A_51 = arith.constant 0 : i32
    %dma_wait3A_52 = arith.constant 0 : i32
    %dma_wait3A_53 = tpu.memref_slice %arg4[%dma_wait3A, %dma_wait3A_51, %dma_wait3A_52] : memref<2x4096x4096xf32, #tpu.memory_space<hbm>> -> memref<1x2x4096xf32, #tpu.memory_space<hbm>>
    %dma_wait3A_54 = tpu.memref_squeeze %dma_wait3A_53 : memref<1x2x4096xf32, #tpu.memory_space<hbm>> -> memref<2x4096xf32, #tpu.memory_space<hbm>>
    tpu.wait_dma2 semaphore(%arg21 : memref<!tpu.dma_semaphore, #tpu.memory_space<semaphore_mem>>) src(%arg9 : memref<2x4096xf32, #tpu.memory_space<vmem>>) dst(%dma_wait3A_54 : memref<2x4096xf32, #tpu.memory_space<hbm>>)
    %dma_wait3A_55 = arith.constant 1 : i32
    %dma_wait3A_56 = arith.constant 0 : i32
    %dma_wait3A_57 = arith.constant 0 : i32
    %dma_wait3A_58 = tpu.memref_slice %arg4[%dma_wait3A_55, %dma_wait3A_56, %dma_wait3A_57] : memref<2x4096x4096xf32, #tpu.memory_space<hbm>> -> memref<1x2x4096xf32, #tpu.memory_space<hbm>>
    %dma_wait3A_59 = tpu.memref_squeeze %dma_wait3A_58 : memref<1x2x4096xf32, #tpu.memory_space<hbm>> -> memref<2x4096xf32, #tpu.memory_space<hbm>>
    %dma_wait3A_60 = arith.constant 0 : i32
    %dma_wait3A_61 = arith.constant 0 : i32
    %dma_wait3A_62 = tpu.memref_slice %arg4[%dma_wait3A_55, %dma_wait3A_60, %dma_wait3A_61] : memref<2x4096x4096xf32, #tpu.memory_space<hbm>> -> memref<1x2x4096xf32, #tpu.memory_space<hbm>>
    %dma_wait3A_63 = tpu.memref_squeeze %dma_wait3A_62 : memref<1x2x4096xf32, #tpu.memory_space<hbm>> -> memref<2x4096xf32, #tpu.memory_space<hbm>>
    tpu.wait_dma2 semaphore(%arg21 : memref<!tpu.dma_semaphore, #tpu.memory_space<semaphore_mem>>) src(%arg13 : memref<2x4096xf32, #tpu.memory_space<vmem>>) dst(%dma_wait3A_63 : memref<2x4096xf32, #tpu.memory_space<hbm>>)
    %dma_wait3A_64 = arith.constant 0 : i32
    %dma_wait3A_65 = arith.constant 0 : i32
    %dma_wait3A_66 = arith.constant 0 : i32
    %dma_wait3A_67 = tpu.memref_slice %arg4[%dma_wait3A_64, %dma_wait3A_65, %dma_wait3A_66] : memref<2x4096x4096xf32, #tpu.memory_space<hbm>> -> memref<1x2x4096xf32, #tpu.memory_space<hbm>>
    %dma_wait3A_68 = tpu.memref_squeeze %dma_wait3A_67 : memref<1x2x4096xf32, #tpu.memory_space<hbm>> -> memref<2x4096xf32, #tpu.memory_space<hbm>>
    %dma_wait3A_69 = arith.constant 0 : i32
    %dma_wait3A_70 = arith.constant 0 : i32
    %dma_wait3A_71 = tpu.memref_slice %arg4[%dma_wait3A_64, %dma_wait3A_69, %dma_wait3A_70] : memref<2x4096x4096xf32, #tpu.memory_space<hbm>> -> memref<1x2x4096xf32, #tpu.memory_space<hbm>>
    %dma_wait3A_72 = tpu.memref_squeeze %dma_wait3A_71 : memref<1x2x4096xf32, #tpu.memory_space<hbm>> -> memref<2x4096xf32, #tpu.memory_space<hbm>>
    tpu.wait_dma2 semaphore(%arg22 : memref<!tpu.dma_semaphore, #tpu.memory_space<semaphore_mem>>) src(%arg10 : memref<2x4096xf32, #tpu.memory_space<vmem>>) dst(%dma_wait3A_72 : memref<2x4096xf32, #tpu.memory_space<hbm>>)
    %dma_wait3A_73 = arith.constant 1 : i32
    %dma_wait3A_74 = arith.constant 0 : i32
    %dma_wait3A_75 = arith.constant 0 : i32
    %dma_wait3A_76 = tpu.memref_slice %arg4[%dma_wait3A_73, %dma_wait3A_74, %dma_wait3A_75] : memref<2x4096x4096xf32, #tpu.memory_space<hbm>> -> memref<1x2x4096xf32, #tpu.memory_space<hbm>>
    %dma_wait3A_77 = tpu.memref_squeeze %dma_wait3A_76 : memref<1x2x4096xf32, #tpu.memory_space<hbm>> -> memref<2x4096xf32, #tpu.memory_space<hbm>>
    %dma_wait3A_78 = arith.constant 0 : i32
    %dma_wait3A_79 = arith.constant 0 : i32
    %dma_wait3A_80 = tpu.memref_slice %arg4[%dma_wait3A_73, %dma_wait3A_78, %dma_wait3A_79] : memref<2x4096x4096xf32, #tpu.memory_space<hbm>> -> memref<1x2x4096xf32, #tpu.memory_space<hbm>>
    %dma_wait3A_81 = tpu.memref_squeeze %dma_wait3A_80 : memref<1x2x4096xf32, #tpu.memory_space<hbm>> -> memref<2x4096xf32, #tpu.memory_space<hbm>>
    tpu.wait_dma2 semaphore(%arg22 : memref<!tpu.dma_semaphore, #tpu.memory_space<semaphore_mem>>) src(%arg14 : memref<2x4096xf32, #tpu.memory_space<vmem>>) dst(%dma_wait3A_81 : memref<2x4096xf32, #tpu.memory_space<hbm>>)
    %dma_wait3A_82 = arith.constant 0 : i32
    %dma_wait3A_83 = arith.constant 0 : i32
    %dma_wait3A_84 = arith.constant 0 : i32
    %dma_wait3A_85 = tpu.memref_slice %arg4[%dma_wait3A_82, %dma_wait3A_83, %dma_wait3A_84] : memref<2x4096x4096xf32, #tpu.memory_space<hbm>> -> memref<1x2x4096xf32, #tpu.memory_space<hbm>>
    %dma_wait3A_86 = tpu.memref_squeeze %dma_wait3A_85 : memref<1x2x4096xf32, #tpu.memory_space<hbm>> -> memref<2x4096xf32, #tpu.memory_space<hbm>>
    %dma_wait3A_87 = arith.constant 0 : i32
    %dma_wait3A_88 = arith.constant 0 : i32
    %dma_wait3A_89 = tpu.memref_slice %arg4[%dma_wait3A_82, %dma_wait3A_87, %dma_wait3A_88] : memref<2x4096x4096xf32, #tpu.memory_space<hbm>> -> memref<1x2x4096xf32, #tpu.memory_space<hbm>>
    %dma_wait3A_90 = tpu.memref_squeeze %dma_wait3A_89 : memref<1x2x4096xf32, #tpu.memory_space<hbm>> -> memref<2x4096xf32, #tpu.memory_space<hbm>>
    tpu.wait_dma2 semaphore(%arg23 : memref<!tpu.dma_semaphore, #tpu.memory_space<semaphore_mem>>) src(%arg11 : memref<2x4096xf32, #tpu.memory_space<vmem>>) dst(%dma_wait3A_90 : memref<2x4096xf32, #tpu.memory_space<hbm>>)
    %dma_wait3A_91 = arith.constant 1 : i32
    %dma_wait3A_92 = arith.constant 0 : i32
    %dma_wait3A_93 = arith.constant 0 : i32
    %dma_wait3A_94 = tpu.memref_slice %arg4[%dma_wait3A_91, %dma_wait3A_92, %dma_wait3A_93] : memref<2x4096x4096xf32, #tpu.memory_space<hbm>> -> memref<1x2x4096xf32, #tpu.memory_space<hbm>>
    %dma_wait3A_95 = tpu.memref_squeeze %dma_wait3A_94 : memref<1x2x4096xf32, #tpu.memory_space<hbm>> -> memref<2x4096xf32, #tpu.memory_space<hbm>>
    %dma_wait3A_96 = arith.constant 0 : i32
    %dma_wait3A_97 = arith.constant 0 : i32
    %dma_wait3A_98 = tpu.memref_slice %arg4[%dma_wait3A_91, %dma_wait3A_96, %dma_wait3A_97] : memref<2x4096x4096xf32, #tpu.memory_space<hbm>> -> memref<1x2x4096xf32, #tpu.memory_space<hbm>>
    %dma_wait3A_99 = tpu.memref_squeeze %dma_wait3A_98 : memref<1x2x4096xf32, #tpu.memory_space<hbm>> -> memref<2x4096xf32, #tpu.memory_space<hbm>>
    tpu.wait_dma2 semaphore(%arg23 : memref<!tpu.dma_semaphore, #tpu.memory_space<semaphore_mem>>) src(%arg15 : memref<2x4096xf32, #tpu.memory_space<vmem>>) dst(%dma_wait3A_99 : memref<2x4096xf32, #tpu.memory_space<hbm>>)
    %dma_wait3A_100 = arith.constant 0 : i32
    %dma_wait3A_101 = arith.constant 0 : i32
    %dma_wait3A_102 = arith.constant 0 : i32
    %dma_wait3A_103 = tpu.memref_slice %arg4[%dma_wait3A_100, %dma_wait3A_101, %dma_wait3A_102] : memref<2x4096x4096xf32, #tpu.memory_space<hbm>> -> memref<1x2x4096xf32, #tpu.memory_space<hbm>>
    %dma_wait3A_104 = tpu.memref_squeeze %dma_wait3A_103 : memref<1x2x4096xf32, #tpu.memory_space<hbm>> -> memref<2x4096xf32, #tpu.memory_space<hbm>>
    %dma_wait3A_105 = arith.constant 0 : i32
    %dma_wait3A_106 = arith.constant 0 : i32
    %dma_wait3A_107 = tpu.memref_slice %arg4[%dma_wait3A_100, %dma_wait3A_105, %dma_wait3A_106] : memref<2x4096x4096xf32, #tpu.memory_space<hbm>> -> memref<1x2x4096xf32, #tpu.memory_space<hbm>>
    %dma_wait3A_108 = tpu.memref_squeeze %dma_wait3A_107 : memref<1x2x4096xf32, #tpu.memory_space<hbm>> -> memref<2x4096xf32, #tpu.memory_space<hbm>>
    tpu.wait_dma2 semaphore(%arg24 : memref<!tpu.dma_semaphore, #tpu.memory_space<semaphore_mem>>) src(%arg12 : memref<2x4096xf32, #tpu.memory_space<vmem>>) dst(%dma_wait3A_108 : memref<2x4096xf32, #tpu.memory_space<hbm>>)
    %dma_wait3A_109 = arith.constant 1 : i32
    %dma_wait3A_110 = arith.constant 0 : i32
    %dma_wait3A_111 = arith.constant 0 : i32
    %dma_wait3A_112 = tpu.memref_slice %arg4[%dma_wait3A_109, %dma_wait3A_110, %dma_wait3A_111] : memref<2x4096x4096xf32, #tpu.memory_space<hbm>> -> memref<1x2x4096xf32, #tpu.memory_space<hbm>>
    %dma_wait3A_113 = tpu.memref_squeeze %dma_wait3A_112 : memref<1x2x4096xf32, #tpu.memory_space<hbm>> -> memref<2x4096xf32, #tpu.memory_space<hbm>>
    %dma_wait3A_114 = arith.constant 0 : i32
    %dma_wait3A_115 = arith.constant 0 : i32
    %dma_wait3A_116 = tpu.memref_slice %arg4[%dma_wait3A_109, %dma_wait3A_114, %dma_wait3A_115] : memref<2x4096x4096xf32, #tpu.memory_space<hbm>> -> memref<1x2x4096xf32, #tpu.memory_space<hbm>>
    %dma_wait3A_117 = tpu.memref_squeeze %dma_wait3A_116 : memref<1x2x4096xf32, #tpu.memory_space<hbm>> -> memref<2x4096xf32, #tpu.memory_space<hbm>>
    tpu.wait_dma2 semaphore(%arg24 : memref<!tpu.dma_semaphore, #tpu.memory_space<semaphore_mem>>) src(%arg16 : memref<2x4096xf32, #tpu.memory_space<vmem>>) dst(%dma_wait3A_117 : memref<2x4096xf32, #tpu.memory_space<hbm>>)
    return
  }
}

</mosaic_0001>

<sc_bundles>
// kernel: kernel.3.cloned.1.call-start
scs
__scs_entry_jumppad:
0x0: {  	(pc) =	sbr.rel $0x88, $3  }
0x1: {  	(tag) =	ssettag $0x0;
	lr =	simm.s32 $0x1  }
0x2: {  	[smem:$0x3F9F] =	sst lr;
	_ =	strace $0xD0000000  }
0x3: {  	_ = 	snop  }
0x4: {  	_ = 	snop  }
0x5: {  	_ = 	snop  }
0x6: {  	_ = 	snop  }
0x7: {  	_ = 	snop  }
__scs_overlays_trampoline_lowered:
0x8: {  	[smem:$0x3FAE] =	sst s0  }
0x9: {  	[smem:$0x3FAF] =	sst s1  }
0xa: {  	[smem:$0x3FB0] =	sst s2  }
0xb: {  	[smem:$0x3FB1] =	sst s3  }
0xc: {  	[smem:$0x3FB2] =	sst s4  }
0xd: {  	[smem:$0x3FB3] =	sst s5  }
0xe: {  	[smem:$0x3FB4] =	sst s6  }
0xf: {  	[smem:$0x3FB5] =	sst s7  }
0x10: {  	[smem:$0x3FB6] =	sst s8  }
0x11: {  	[smem:$0x3FB7] =	sst s9;
	s0 =	simm.s32 @!p0 $0x0  }
0x12: {  	s1 =	sld [smem:$0x3F9D];
	s0 =	simm.s32 @p0 $0x1  }
0x13: {  	[smem:$0x3FB8] =	sst s0;
	s0 =	simm.s32 @!p1 $0x0  }
0x14: {  	s2 =	sld [smem:$0x3F9C];
	s0 =	simm.s32 @p1 $0x1  }
0x15: {  	[smem:$0x3FB9] =	sst s0;
	s0 =	simm.s32 @!p2 $0x0  }
0x16: {  	s3 =	sld [smem:$0x3FDB];
	s0 =	simm.s32 @p2 $0x1  }
0x17: {  	s4 =	simm.s32 $0x1BF5;
	[smem:$0x3FBB] =	sst s0  }
0x18: {  	s0 =	sld [smem:$0x3F9E];
	_ =	swait.ge [sflag:s4], $0x0  }
0x19: {  	s7 =	sld [smem:$0x3F9F]  }
0x1a: {  	s8 =	sadd.s32 $0xFFFFE003, lr  }
0x1b: {  	s9 =	sadd.s32 $0xFFFFFEF7, lr;
	s5 =	simm.s32 $0xFFFFFFFF;
	p2 =	slt.u32 s8, $0xFFFFF086  }
0x1c: {  	p1 =	slt.u32 s9, $0xF7A;
	s5 =	simm.s32 @!p2 $0x0  }
0x1d: {  	s5 =	simm.s32 @p1 $0x1;
	p0 =	seq.s32 s7, s2  }
0x1e: {  	s7 =	smul.u32 @!p0 $0xF7A, s2;
	p2 =	seq.s32 @!p0 s5, $0x0  }
0x1f: {  	s9 =	smul.u32 $0xF7A, s1;
	s8 =	simm.s32 @!p0 $0x1BF5;
	p2 =	por !p2, p0  }
0x20: {  	[sflag:s8] =	ssyncset.s32 @!p0 $0xFFFFF086;
	s6 =	sadd.s32 @!p0 s3, s7;
	s7 =	simm.s32 @!p0 $0x108  }
0x21: {  	s3 =	sadd.s32 s3, s9;
	s6 =	sadd.s32 @!p0 $0x88, s6;
	s7 =	simm.s32 @p2 $0x1082  }
0x22: {  	[simem:s7], [sflag:s8] =	dma.local @!p0 [hbm:s6], $0xF7A  }
0x23: {  	s9 =	sor.u32 $0xD0000000, s2;
	s6 =	simm.s32 $0x108;
	_ =	swait.ge @!p0 [sflag:s8], $0x0  }
0x24: {  	s3 =	sadd.s32 $0x88, s3;
	s6 =	simm.s32 @!p1 $0x1082;
	[sflag:s4] =	ssyncset.s32 $0xFFFFF086  }
0x25: {  	[simem:s6], [sflag:s4] =	dma.local [hbm:s3], $0xF7A  }
0x26: {  	[smem:$0x3F9F] =	sst s1;
	(tag) =	ssettag s2;
	_ =	strace s9  }
0x27: {  	s1 =	sld [smem:$0x3FAF]  }
0x28: {  	s2 =	sld [smem:$0x3FB0]  }
0x29: {  	s4 =	sld [smem:$0x3FB2]  }
0x2a: {  	p0 =	seq.s32 s5, $0x0;
	s5 =	sld [smem:$0x3FB3]  }
0x2b: {  	s6 =	sld [smem:$0x3FB4]  }
0x2c: {  	s7 =	sld [smem:$0x3FB5]  }
0x2d: {  	s3 =	simm.s32 $0x108;
	s8 =	sld [smem:$0x3FB6]  }
0x2e: {  	s3 =	simm.s32 @!p0 $0x1082;
	s9 =	sld [smem:$0x3FB7]  }
0x2f: {  	lr =	sadd.s32 s0, s3;
	s0 =	sld [smem:$0x3FAE]  }
0x30: {  	s3 =	sld [smem:$0x3FB1]  }
0x31: {  	[smem:$0x3FBA] =	sst s10  }
0x32: {  	s10 =	sld [smem:$0x3FB8];
	_ =	sdelay $0x3  }
0x33: {  	p0 =	seq.s32 s10, $0x1;
	s10 =	sld [smem:$0x3FBA];
	_ =	sdelay $0x3  }
0x34: {  	[smem:$0x3FBA] =	sst s10  }
0x35: {  	s10 =	sld [smem:$0x3FB9];
	_ =	sdelay $0x3  }
0x36: {  	p1 =	seq.s32 s10, $0x1;
	s10 =	sld [smem:$0x3FBA];
	_ =	sdelay $0x3  }
0x37: {  	[smem:$0x3FBA] =	sst s10  }
0x38: {  	s10 =	sld [smem:$0x3FBB]  }
0x39: {  	_ = 	snop;
	(pc) =	sbr.ind lr, $3  }
0x3a: {  	_ = 	snop  }
0x3b: {  	_ = 	snop  }
0x3c: {  	p2 =	seq.s32 s10, $0x1;
	s10 =	sld [smem:$0x3FBA]  }
0x3d: {  	_ =	shalt  }
0x3e: {  	_ =	shalt  }
0x3f: {  	_ =	shalt  }
0x40: {  	_ =	shalt  }
0x41: {  	_ =	shalt  }
0x42: {  	_ =	shalt  }
0x43: {  	_ =	shalt  }
0x44: {  	_ =	shalt  }
0x45: {  	_ =	shalt  }
0x46: {  	_ =	shalt  }
0x47: {  	_ =	shalt  }
0x48: {  	_ =	shalt  }
0x49: {  	_ =	shalt  }
0x4a: {  	_ =	shalt  }
0x4b: {  	_ =	shalt  }
0x4c: {  	_ =	shalt  }
0x4d: {  	_ =	shalt  }
0x4e: {  	_ =	shalt  }
0x4f: {  	_ =	shalt  }
0x50: {  	_ =	shalt  }
0x51: {  	_ =	shalt  }
0x52: {  	_ =	shalt  }
0x53: {  	_ =	shalt  }
0x54: {  	_ =	shalt  }
0x55: {  	_ =	shalt  }
0x56: {  	_ =	shalt  }
0x57: {  	_ =	shalt  }
0x58: {  	_ =	shalt  }
0x59: {  	_ =	shalt  }
0x5a: {  	_ =	shalt  }
0x5b: {  	_ =	shalt  }
0x5c: {  	_ =	shalt  }
0x5d: {  	_ =	shalt  }
0x5e: {  	_ =	shalt  }
0x5f: {  	_ =	shalt  }
0x60: {  	_ =	shalt  }
0x61: {  	_ =	shalt  }
0x62: {  	_ =	shalt  }
0x63: {  	_ =	shalt  }
0x64: {  	_ =	shalt  }
0x65: {  	_ =	shalt  }
0x66: {  	_ =	shalt  }
0x67: {  	_ =	shalt  }
0x68: {  	_ =	shalt  }
0x69: {  	_ =	shalt  }
0x6a: {  	_ =	shalt  }
0x6b: {  	_ =	shalt  }
0x6c: {  	_ =	shalt  }
0x6d: {  	_ =	shalt  }
0x6e: {  	_ =	shalt  }
0x6f: {  	_ =	shalt  }
0x70: {  	_ =	shalt  }
0x71: {  	_ =	shalt  }
0x72: {  	_ =	shalt  }
0x73: {  	_ =	shalt  }
0x74: {  	_ =	shalt  }
0x75: {  	_ =	shalt  }
0x76: {  	_ =	shalt  }
0x77: {  	_ =	shalt  }
0x78: {  	_ =	shalt  }
0x79: {  	_ =	shalt  }
0x7a: {  	_ =	shalt  }
0x7b: {  	_ =	shalt  }
0x7c: {  	_ =	shalt  }
0x7d: {  	_ =	shalt  }
0x7e: {  	_ =	shalt  }
0x7f: {  	_ =	shalt  }
0x80: {  	_ =	shalt  }
0x81: {  	_ =	shalt  }
0x82: {  	_ =	shalt  }
0x83: {  	_ =	shalt  }
0x84: {  	_ =	shalt  }
0x85: {  	_ =	shalt  }
0x86: {  	_ =	shalt  }
0x87: {  	_ =	shalt  }
.Lfunc_end0:
.L_simem_size_0:
called_computation_lowered:
.L_overlay_start_0:
0x88: {  	s2 =	sld [smem:$0x3FD9]  }
0x89: {  	s3 =	sld [smem:$0x3FFE];
	_ =	sdelay $0x1  }
0x8a: {  	s1 =	srdreg.scid  }
0x8b: {  	s0 =	sand.u32 $0x1, s1  }
0x8c: {  	s18 =	sshll.u32 s0, $0xA;
	s2 =	sadd.s32 s3, s2  }
0x8d: {  	s2 =	sadd.s32 s2, s18  }
0x8e: {  	[smem:$0x3FC6] =	sst s2  }
0x8f: {  	_ = 	snop  }
0x90: {  	s2 =	sld [smem:$0x3FC9]  }
0x91: {  	s19 =	sld [smem:$0x3FC8]  }
0x92: {  	s4 =	sld [smem:$0x3FD0];
	(tm) =	ssettm $0x1  }
0x93: {  	s5 =	sld [smem:$0x3FFB];
	_ =	sdelay $0x3  }
0x94: {  	_ =	strace s5  }
0x95: {  	s5 =	sld [smem:$0x3FFC];
	_ =	sdelay $0x3  }
0x96: {  	_ =	strace s5  }
0x97: {  	s5 =	sld [smem:$0x3FFD];
	_ =	sdelay $0x3  }
0x98: {  	_ =	strace s5  }
0x99: {  	_ =	strace $0x8FFFFFFF  }
0x9a: {  	s20 =	sld [smem:$0x3FDB];
	_ =	sdelay $0x1  }
0x9b: {  	s6 =	simm.s32 $_scs_section_size  }
0x9c: {  	s7 =	simm.s32 $_size__tile_overlayer_lowered;
	s8 =	simm.s32 $_tile_overlayer_lowered  }
0x9d: {  	s23 =	simm.s32 $0x1BFF;
	s22 =	sshll.u32 s8, $0x1;
	s5 =	sadd.s32 s6, s20  }
0x9e: {  	s9 =	simm.s32 $0x0;
	s21 =	sshll.u32 s7, $0x1;
	s7 =	sadd.s32 s22, s5  }
0x9f: {  	[timem:s9], [sflag:s23] =	dma.local [hbm:s7], s21  }
0xa0: {  	_ =	swait.ge [sflag:s23], s21  }
0xa1: {  	s6 =	ssub.s32 $0x0, s21;
	[sflag:s23] =	ssyncset.done $0x0  }
0xa2: {  	[sflag:s23] =	ssyncadd.s32 s6;
	_ =	sdelay $0x1  }
0xa3: {  	s24 =	simm.s32 $0x1B8B  }
0xa4: {  	_ =	swait.ge [sflag:s24], $0x1  }
0xa5: {  	[sflag:s24] =	ssyncset.done $0x0  }
0xa6: {  	s25 =	simm.s32 $0x1B8E;
	[sflag:s24] =	ssyncadd.s32 $0xFFFFFFFF  }
0xa7: {  	s26 =	simm.s32 $execute0_lowered;
	[smem:$0x3FD2] =	sst s25  }
0xa8: {  	s6 =	sshll.u32 s26, $0x1;
	_ =	strace $0x80000046;
	[dreg:$0x1] =	wrdreg $0xFFFFFFFF  }
0xa9: {  	s28 =	simm.s32 $_size_execute0_lowered;
	s5 =	sadd.s32 s5, s6;
	[dreg:$0x0] =	wrdreg $0x0  }
0xaa: {  	s6 =	sshll.u32 s28, $0x1;
	[dreg:$0x2] =	wrdreg s5  }
0xab: {  	[dreg:$0x3] =	wrdreg s6  }
0xac: {  	[dreg:$0x4] =	wrdreg $0xC0  }
0xad: {  	_ =	task [dreg:s9], $0x5FFFF  }
0xae: {  	[dreg:$0x1] =	wrdreg $0xFFFFFFFF  }
0xaf: {  	[dreg:$0x0] =	wrdreg $0x60  }
0xb0: {  	[dreg:$0x2] =	wrdreg s2  }
0xb1: {  	[dreg:$0x3] =	wrdreg s19  }
0xb2: {  	[dreg:$0x4] =	wrdreg s4  }
0xb3: {  	[dreg:$0x5] =	wrdreg $0x9  }
0xb4: {  	_ =	task.clear_ibuf [dreg:s9], $0x6FFFF;
	_ =	strace $0x90000046  }
0xb5: {  	s29 =	simm.s32 $0x9;
	_ =	strace $0x80000048  }
0xb6: {  	_ =	swait.ge [sflag:s29], $0x1  }
0xb7: {  	[sflag:s29] =	ssyncadd.s32 $0xFFFFFFFF  }
0xb8: {  	_ =	strace $0x90000048  }
0xb9: {  	_ =	sfence  }
0xba: {  	s30 =	sld [smem:$0x0];
	_ =	sdelay $0x2  }
0xbb: {  	s31 =	sshll.u32 s1, $0xD;
	s1 =	sshrl.u32 s1, $0x2  }
0xbc: {  	s3 =	sand.u32 $0x4000, s31;
	s1 =	sadd.s32 s1, s30  }
0xbd: {  	s0 =	sor.u32 s3, s0;
	s1 =	sshll.u32 s1, $0x11  }
0xbe: {  	s0 =	sor.u32 s1, s0  }
0xbf: {  	s0 =	sadd.s32 $0x8F2B, s0  }
0xc0: {  	[sflag:s0] =	ssyncadd.remote.s32 $0x1  }
0xc1: {  	_ =	sfence.sel $0xFFFF  }
0xc2: {  	[dreg:$0x0] =	wrdreg $0xFFFFFFFF;
	(pc) =	sbr.abs _section_cstart, $3  }
0xc3: {  	[dreg:$0x1] =	wrdreg $0xFFFFFFFF  }
0xc4: {  	_ =	task.clear_ibuf [dreg:s9], $0x2FFFF;
	_ =	strace $0x9FFFFFFF  }
0xc5: {  	(tm) =	ssettm $0x7FFFFFFF  }
tec
execute0_lowered:
.L_overlay_start_1:
0x0: {  	(tag) =	ssettag $0x1  }
0x1: {  	s1 =	rddreg [dreg:$0x0]  }
0x2: {  	s3 =	rddreg [dreg:$0x1]  }
0x3: {  	s4 =	rddreg [dreg:$0x2]  }
0x4: {  	s0 =	srdreg.scid;
	s2 =	stileid.u32;
	s6 =	simm.s32 $0x0  }
0x5: {  	s18 =	simm.s32 $0x100;
	s19 =	simm.s32 $0x400;
	s28 =	simm.s32 $0x14000  }
0x6: {  	s29 =	simm.s32 $0x1;
	s31 =	simm.s32 $0xE000;
	s0 =	sand.u32 $0x1, s0  }
0x7: {  	s2 =	sshll.u32 s2, $0x8;
	[smem:$0x7FF] =	sst s6;
	s26 =	sadd.s32 $0x200000, s4  }
0x8: {  	s30 =	sadd.s32 $0x20, s4;
	_ =	strace $0x80000047;
	[dreg:$0xb] =	wrdreg s26  }
0x9: {  	s5 =	sshll.u32 s0, $0x7;
	s0 =	ssub.s32 $0x2, s0;
	[dreg:$0xc] =	wrdreg s30  }
0xa: {  	s26 =	simm.s32 $0xC000;
	s2 =	sor.u32 s5, s2;
	s20 =	sshrl.u32 s0, $0x1  }
0xb: {  	s7 =	sshll.u32 s2, $0x9;
	s21 =	sshll.u32 s2, $0xC;
	s2 =	sshrl.u32 s2, $0x3  }
0xc: {  	s0 =	ssub.s32 s0, s20;
	s22 =	sadd.s32 s3, s7;
	[dreg:$0xa] =	wrdreg s2  }
0xd: {  	s8 =	sadd.s32 s1, s7;
	s24 =	sor.u32 $0x20, s7;
	[dreg:$0x5] =	wrdreg s22  }
0xe: {  	s15 =	smov.u32 s21;
	s0 =	smax.u32 s0, $0x1;
	[dreg:$0x4] =	wrdreg s8  }
0xf: {  	s16 =	sor.u32 $0x8000, s21;
	s23 =	sadd.s32 $0x200000, s8;
	[dreg:$0xd] =	wrdreg s0  }
0x10: {  	s2 =	simm.s32 $0x2;
	s7 =	sadd.s32 s3, s24;
	[dreg:$0x6] =	wrdreg s23  }
0x11: {  	s5 =	sadd.s32 s1, s24;
	s25 =	sadd.s32 $0x200020, s8;
	[dreg:$0x7] =	wrdreg s7  }
0x12: {  	s0 =	simm.s32 $0x16000;
	s22 =	simm.s32 $0x3;
	[dreg:$0x8] =	wrdreg s5  }
0x13: {  	s8 =	simm.s32 $0x0;
	[dreg:$0x9] =	wrdreg s25;
	s5 =	simm.s32 $0x4  }
.LBB2_1:
0x14: {  	[dreg:$0xe] =	wrdreg s8  }
0x15: {  	s6 =	simm.s32 $0x0;
	s7 =	rddreg [dreg:$0x5]  }
0x16: {  	[tilespmem:s6], [sflag:$0x1] =	stream.strided.gather [hbm4b:s7+s18], $0x2000, s19, s18, $0x38;
	[tilespmem:$0x18000] =	vst v63  }
0x17: {  	s12 =	rddreg [dreg:$0x4];
	s13 =	simm.s32 $0x8000  }
0x18: {  	[tilespmem:s13], [sflag:$0x1] =	stream.strided.gather [hbm4b:s12+s18], $0x2000, s19, s18, $0x38;
	[tilespmem:$0x18000] =	vst v63  }
0x19: {  	s14 =	rddreg [dreg:$0x6];
	s17 =	simm.s32 $0x10000  }
0x1a: {  	[tilespmem:s17], [sflag:$0x1] =	stream.strided.gather [hbm4b:s14+s18], $0x2000, s19, s18, $0x38;
	[tilespmem:$0x18000] =	vst v63  }
0x1b: {  	s20 =	rddreg [dreg:$0x7];
	s21 =	simm.s32 $0x2000  }
0x1c: {  	[tilespmem:s21], [sflag:$0x2] =	stream.strided.gather [hbm4b:s20+s18], $0x2000, s19, s18, $0x38;
	[tilespmem:$0x18000] =	vst v63  }
0x1d: {  	s23 =	rddreg [dreg:$0x8];
	s24 =	simm.s32 $0xA000  }
0x1e: {  	[tilespmem:s24], [sflag:$0x2] =	stream.strided.gather [hbm4b:s23+s18], $0x2000, s19, s18, $0x38;
	[tilespmem:$0x18000] =	vst v63  }
0x1f: {  	s25 =	rddreg [dreg:$0x9];
	s30 =	simm.s32 $0x12000;
	s17 =	simm.s32 $0x0  }
0x20: {  	[tilespmem:s30], [sflag:$0x2] =	stream.strided.gather [hbm4b:s25+s18], $0x2000, s19, s18, $0x38;
	[tilespmem:$0x18000] =	vst v63  }
.LBB2_2:
0x21: {  	p0 =	seq.s32 s17, $0x0  }
0x22: {  	s7 =	simm.s32 @!p0 $0x7  }
0x23: {  	_ =	swait.ge @!p0 [sflag:s7], $0x2000  }
0x24: {  	s11 =	sshll.u32 s17, $0xF;
	[sflag:s7] =	ssyncset.done @!p0 $0x0  }
0x25: {  	s8 =	sor.u32 s15, s11;
	[sflag:s7] =	ssyncadd.s32 @!p0 $0xFFFFE000  }
0x26: {  	s12 =	sshrl.u32 s8, $0x3;
	_ =	swait.ge @!p0 [sflag:s7], $0x2000  }
0x27: {  	s8 =	sor.u32 $0x40, s12;
	[sflag:s7] =	ssyncset.done @!p0 $0x0  }
0x28: {  	s6 =	simm.s32 $0x4000;
	s24 =	sadd.s32 s3, s8;
	[sflag:s7] =	ssyncadd.s32 @!p0 $0xFFFFE000  }
0x29: {  	[tilespmem:s6], [sflag:$0x3] =	stream.strided.gather [hbm4b:s24+s18], $0x2000, s19, s18, $0x38;
	[tilespmem:$0x18000] =	vst v63  }
0x2a: {  	s10 =	sor.u32 $0x200040, s12;
	s25 =	sadd.s32 s1, s8  }
0x2b: {  	[tilespmem:s26], [sflag:$0x3] =	stream.strided.gather [hbm4b:s25+s18], $0x2000, s19, s18, $0x38;
	[tilespmem:$0x18000] =	vst v63  }
0x2c: {  	s30 =	sadd.s32 s1, s10  }
0x2d: {  	[tilespmem:s28], [sflag:$0x3] =	stream.strided.gather [hbm4b:s30+s18], $0x2000, s19, s18, $0x38;
	[tilespmem:$0x18000] =	vst v63  }
0x2e: {  	_ =	swait.ge [sflag:s29], $0x2000  }
0x2f: {  	[sflag:s29] =	ssyncset.done $0x0  }
0x30: {  	[sflag:s29] =	ssyncadd.s32 $0xFFFFE000  }
0x31: {  	_ =	swait.ge [sflag:s29], $0x2000  }
0x32: {  	[sflag:s29] =	ssyncset.done $0x0  }
0x33: {  	[sflag:s29] =	ssyncadd.s32 $0xFFFFE000  }
0x34: {  	s20 =	simm.s32 $0x0;
	s7 =	simm.s32 $0x0;
	_ =	swait.ge [sflag:s29], $0x2000  }
0x35: {  	s9 =	sand.u32 $0x40, s20;
	s21 =	sand.u32 $0x1F00, s7;
	[sflag:s29] =	ssyncset.done $0x0  }
0x36: {  	s9 =	sor.u32 s9, s21;
	[sflag:s29] =	ssyncadd.s32 $0xFFFFE000  }
0x37: {  	v0 =	vld [tilespmem:s9+$0x30]  }
0x38: {  	v2 =	vld [tilespmem:s9+$0x10030]  }
0x39: {  	v3 =	vld [tilespmem:s9+$0x0]  }
0x3a: {  	v7 =	vld [tilespmem:s9+$0x8000]  }
0x3b: {  	v6 =	vld [tilespmem:s9+$0x10000]  }
0x3c: {  	v1 =	vld [tilespmem:s9+$0x10]  }
0x3d: {  	v4 =	vld [tilespmem:s9+$0x8010];
	v8 =	vadd.f32 v2, v0  }
0x3e: {  	v5 =	vld [tilespmem:s9+$0x10010]  }
0x3f: {  	p1 =	por $0x0, $0x0;
	s21 =	simm.s32 $0x0;
	v7 =	vadd.f32 v7, v3;
	v2 =	vld [tilespmem:s9+$0x20];
	[tilespmem:s9+$0x10030] =	vst v8  }
.LBB2_3:
0x40: {  	s20 =	sadd.s32 $0x40, s20;
	v3 =	vadd.f32 v6, v3;
	v6 =	vld [tilespmem:s9+$0x8020];
	s21 =	sadd.s32 $0x80, s21  }
0x41: {  	s23 =	sand.u32 $0x40, s20;
	s24 =	sand.u32 $0x1F00, s21;
	p2 =	slt.u32 s20, $0xFC0;
	[tilespmem:s9+$0x8000] =	vst v7;
	v7 =	vld [tilespmem:s9+$0x10020]  }
0x42: {  	s23 =	sor.u32 s23, s24;
	[tilespmem:s9+$0x10000] =	vst v3;
	v3 =	vadd.f32 v4, v1;
	v4 =	vld [tilespmem:s9+$0x8030]  }
0x43: {  	v8 =	vld [tilespmem:s23+$0x30];
	v1 =	vadd.f32 v5, v1  }
0x44: {  	v5 =	vld [tilespmem:s23+$0x10030];
	[tilespmem:s9+$0x8010] =	vst v3  }
0x45: {  	v3 =	vld [tilespmem:s23+$0x0];
	[tilespmem:s9+$0x10010] =	vst v1;
	v1 =	vadd.f32 v6, v2  }
0x46: {  	v9 =	vld [tilespmem:s23+$0x8000];
	v2 =	vadd.f32 v7, v2  }
.Ltmp0:
0x47: {  	v6 =	vld [tilespmem:s23+$0x10000];
	[tilespmem:s9+$0x8020] =	vst v1;
	v7 =	vadd.f32 v4, v0;
	(pc) =	sbr.rel @p2 .LBB2_3-.Ltmp0, $4  }
0x48: {  	v1 =	vld [tilespmem:s23+$0x10];
	[tilespmem:s9+$0x10020] =	vst v2;
	v0 =	vmov v8  }
0x49: {  	v4 =	vld [tilespmem:s23+$0x8010];
	v8 =	vadd.f32 v5, v0;
	[tilespmem:s9+$0x8030] =	vst v7;
	s9 =	smov.u32 s23  }
0x4a: {  	v5 =	vld [tilespmem:s9+$0x10010]  }
0x4b: {  	v7 =	vadd.f32 v9, v3;
	v2 =	vld [tilespmem:s9+$0x20];
	[tilespmem:s9+$0x10030] =	vst v8  }
0x4c: {  	v8 =	vld [tilespmem:s9+$0x8020]  }
0x4d: {  	v9 =	vld [tilespmem:s9+$0x10020]  }
0x4e: {  	v3 =	vadd.f32 v6, v3;
	v6 =	vld [tilespmem:s9+$0x8030]  }
0x4f: {  	[tilespmem:s9+$0x8000] =	vst v7;
	v4 =	vadd.f32 v4, v1  }
0x50: {  	[tilespmem:s9+$0x10000] =	vst v3;
	v1 =	vadd.f32 v5, v1  }
0x51: {  	s20 =	simm.s32 $0x1;
	[tilespmem:s9+$0x8010] =	vst v4;
	v3 =	vadd.f32 v8, v2  }
0x52: {  	s20 =	simm.s32 @!p1 $0x0;
	[tilespmem:s9+$0x10010] =	vst v1;
	v1 =	vadd.f32 v9, v2  }
0x53: {  	s20 =	sshll.u32 s20, $0x6;
	v0 =	vadd.f32 v6, v0;
	[tilespmem:s9+$0x8020] =	vst v3  }
0x54: {  	s20 =	sadd.s32 $0x0, s20;
	[tilespmem:s9+$0x10020] =	vst v1  }
0x55: {  	[tilespmem:s9+$0x8030] =	vst v0;
	s9 =	sor.u32 $0xB0, s20  }
0x56: {  	v0 =	vld [tilespmem:s9+$0x0]  }
0x57: {  	s25 =	sor.u32 $0x80, s20;
	v4 =	vld [tilespmem:s9+$0x10000]  }
0x58: {  	v2 =	vld [tilespmem:s25+$0x0]  }
0x59: {  	v6 =	vld [tilespmem:s25+$0x8000]  }
0x5a: {  	s30 =	sor.u32 $0x90, s20;
	v5 =	vld [tilespmem:s25+$0x10000]  }
0x5b: {  	v1 =	vld [tilespmem:s30+$0x0]  }
0x5c: {  	v3 =	vld [tilespmem:s30+$0x8000]  }
0x5d: {  	s21 =	simm.s32 $0x0;
	p1 =	por !p1, !p1;
	s20 =	sor.u32 $0xA0, s20;
	v7 =	vadd.f32 v4, v0;
	v4 =	vld [tilespmem:s30+$0x10000]  }
.LBB2_5:
0x5e: {  	s23 =	simm.s32 $0x1  }
0x5f: {  	v6 =	vadd.f32 v6, v2;
	v8 =	vld [tilespmem:s20+$0x0];
	[tilespmem:s9+$0x10000] =	vst v7;
	s23 =	simm.s32 @!p1 $0x0  }
0x60: {  	s21 =	sadd.s32 $0x40, s21;
	s7 =	sadd.s32 $0x80, s7;
	v2 =	vadd.f32 v5, v2;
	s23 =	sshll.u32 s23, $0x6;
	v5 =	vld [tilespmem:s20+$0x8000]  }
0x61: {  	p2 =	slt.u32 s21, $0xFC0;
	s23 =	sadd.s32 s23, s7;
	[tilespmem:s25+$0x8000] =	vst v6;
	v7 =	vld [tilespmem:s20+$0x10000]  }
0x62: {  	s24 =	sor.u32 $0x90, s23;
	s6 =	sor.u32 $0xB0, s23;
	[tilespmem:s25+$0x10000] =	vst v2;
	s25 =	sor.u32 $0x80, s23;
	v2 =	vadd.f32 v3, v1;
	v3 =	vld [tilespmem:s9+$0x8000]  }
0x63: {  	s23 =	sor.u32 $0xA0, s23;
	v1 =	vadd.f32 v4, v1;
	v9 =	vld [tilespmem:s6+$0x0]  }
0x64: {  	v4 =	vld [tilespmem:s6+$0x10000];
	[tilespmem:s30+$0x8000] =	vst v2  }
0x65: {  	v2 =	vld [tilespmem:s25+$0x0];
	[tilespmem:s30+$0x10000] =	vst v1;
	v1 =	vadd.f32 v5, v8;
	s30 =	smov.u32 s24  }
.Ltmp1:
0x66: {  	v6 =	vld [tilespmem:s25+$0x8000];
	v7 =	vadd.f32 v7, v8;
	(pc) =	sbr.rel @p2 .LBB2_5-.Ltmp1, $4  }
0x67: {  	v5 =	vld [tilespmem:s25+$0x10000];
	[tilespmem:s20+$0x8000] =	vst v1;
	v8 =	vadd.f32 v3, v0  }
0x68: {  	v1 =	vld [tilespmem:s30+$0x0];
	[tilespmem:s20+$0x10000] =	vst v7;
	v0 =	vmov v9;
	s20 =	smov.u32 s23  }
0x69: {  	v3 =	vld [tilespmem:s30+$0x8000];
	v7 =	vadd.f32 v4, v0;
	[tilespmem:s9+$0x8000] =	vst v8;
	s9 =	smov.u32 s6  }
0x6a: {  	p1 =	por !p1, !p1;
	v4 =	vld [tilespmem:s30+$0x10000]  }
0x6b: {  	v8 =	vld [tilespmem:s20+$0x0]  }
0x6c: {  	v9 =	vld [tilespmem:s20+$0x8000]  }
0x6d: {  	v6 =	vadd.f32 v6, v2  }
0x6e: {  	[tilespmem:s9+$0x10000] =	vst v7;
	v7 =	vld [tilespmem:s20+$0x10000];
	v2 =	vadd.f32 v5, v2  }
0x6f: {  	v5 =	vld [tilespmem:s9+$0x8000];
	[tilespmem:s25+$0x8000] =	vst v6;
	v3 =	vadd.f32 v3, v1  }
0x70: {  	[tilespmem:s25+$0x10000] =	vst v2;
	v1 =	vadd.f32 v4, v1  }
0x71: {  	[tilespmem:s30+$0x8000] =	vst v3;
	v2 =	vadd.f32 v9, v8  }
0x72: {  	[tilespmem:s30+$0x10000] =	vst v1  }
0x73: {  	v1 =	vadd.f32 v7, v8;
	[tilespmem:s20+$0x8000] =	vst v2  }
0x74: {  	v0 =	vadd.f32 v5, v0;
	s6 =	rddreg [dreg:$0xa]  }
0x75: {  	[tilespmem:s20+$0x10000] =	vst v1;
	s6 =	sor.u32 s6, s17  }
0x76: {  	[tilespmem:s9+$0x8000] =	vst v0;
	s6 =	sshll.u32 s6, $0xC  }
0x77: {  	s25 =	simm.s32 $0x8000;
	s9 =	rddreg [dreg:$0xb];
	s7 =	sadd.s32 s4, s6  }
0x78: {  	[hbm4b:s7+s18] =	stream.strided.scatter [tilespmem:s25], [sflag:$0x5], $0x2000, s19, s18, $0x38;
	[tilespmem:$0x18000] =	vst v63  }
0x79: {  	s13 =	simm.s32 $0x10000;
	s6 =	sadd.s32 s6, s9  }
0x7a: {  	[hbm4b:s6+s18] =	stream.strided.scatter [tilespmem:s13], [sflag:$0x5], $0x2000, s19, s18, $0x38;
	[tilespmem:$0x18000] =	vst v63  }
0x7b: {  	s6 =	simm.s32 @!p0 $0x8  }
0x7c: {  	_ =	swait.ge @!p0 [sflag:s6], $0x2000  }
0x7d: {  	[sflag:s6] =	ssyncset.done @!p0 $0x0  }
0x7e: {  	[sflag:s6] =	ssyncadd.s32 @!p0 $0xFFFFE000  }
0x7f: {  	_ =	swait.ge @!p0 [sflag:s6], $0x2000  }
0x80: {  	s7 =	sor.u32 $0x60, s12;
	[sflag:s6] =	ssyncset.done @!p0 $0x0  }
0x81: {  	s20 =	simm.s32 $0x6000;
	s14 =	sadd.s32 s3, s7;
	[sflag:s6] =	ssyncadd.s32 @!p0 $0xFFFFE000  }
0x82: {  	[tilespmem:s20], [sflag:$0x4] =	stream.strided.gather [hbm4b:s14+s18], $0x2000, s19, s18, $0x38;
	[tilespmem:$0x18000] =	vst v63  }
0x83: {  	s9 =	sor.u32 $0x200060, s12;
	s21 =	sadd.s32 s1, s7  }
0x84: {  	[tilespmem:s31], [sflag:$0x4] =	stream.strided.gather [hbm4b:s21+s18], $0x2000, s19, s18, $0x38;
	[tilespmem:$0x18000] =	vst v63  }
0x85: {  	s23 =	sadd.s32 s1, s9  }
0x86: {  	[tilespmem:s0], [sflag:$0x4] =	stream.strided.gather [hbm4b:s23+s18], $0x2000, s19, s18, $0x38;
	[tilespmem:$0x18000] =	vst v63  }
0x87: {  	_ =	swait.ge [sflag:s2], $0x2000  }
0x88: {  	[sflag:s2] =	ssyncset.done $0x0  }
0x89: {  	[sflag:s2] =	ssyncadd.s32 $0xFFFFE000  }
0x8a: {  	_ =	swait.ge [sflag:s2], $0x2000  }
0x8b: {  	[sflag:s2] =	ssyncset.done $0x0  }
0x8c: {  	[sflag:s2] =	ssyncadd.s32 $0xFFFFE000  }
0x8d: {  	s25 =	simm.s32 $0x0;
	s20 =	simm.s32 $0x0;
	_ =	swait.ge [sflag:s2], $0x2000  }
0x8e: {  	s24 =	sand.u32 $0x40, s20;
	s21 =	sand.u32 $0x1F00, s25;
	[sflag:s2] =	ssyncset.done $0x0  }
0x8f: {  	s30 =	sor.u32 s24, s21;
	[sflag:s2] =	ssyncadd.s32 $0xFFFFE000  }
0x90: {  	v0 =	vld [tilespmem:s30+$0x2030]  }
0x91: {  	v2 =	vld [tilespmem:s30+$0x12030]  }
0x92: {  	v3 =	vld [tilespmem:s30+$0x2000]  }
0x93: {  	v7 =	vld [tilespmem:s30+$0xA000]  }
0x94: {  	v6 =	vld [tilespmem:s30+$0x12000]  }
0x95: {  	v1 =	vld [tilespmem:s30+$0x2010]  }
0x96: {  	v4 =	vld [tilespmem:s30+$0xA010];
	v8 =	vadd.f32 v2, v0  }
0x97: {  	v5 =	vld [tilespmem:s30+$0x12010]  }
0x98: {  	s21 =	simm.s32 $0x0;
	v7 =	vadd.f32 v7, v3;
	v2 =	vld [tilespmem:s30+$0x2020];
	[tilespmem:s30+$0x12030] =	vst v8  }
.LBB2_7:
0x99: {  	s20 =	sadd.s32 $0x40, s20;
	v3 =	vadd.f32 v6, v3;
	v6 =	vld [tilespmem:s30+$0xA020];
	s21 =	sadd.s32 $0x80, s21  }
0x9a: {  	s6 =	sand.u32 $0x40, s20;
	s23 =	sand.u32 $0x1F00, s21;
	p0 =	slt.u32 s20, $0xFC0;
	[tilespmem:s30+$0xA000] =	vst v7;
	v7 =	vld [tilespmem:s30+$0x12020]  }
0x9b: {  	s6 =	sor.u32 s6, s23;
	[tilespmem:s30+$0x12000] =	vst v3;
	v3 =	vadd.f32 v4, v1;
	v4 =	vld [tilespmem:s30+$0xA030]  }
0x9c: {  	v8 =	vld [tilespmem:s6+$0x2030];
	v1 =	vadd.f32 v5, v1  }
0x9d: {  	v5 =	vld [tilespmem:s6+$0x12030];
	[tilespmem:s30+$0xA010] =	vst v3  }
0x9e: {  	v3 =	vld [tilespmem:s6+$0x2000];
	[tilespmem:s30+$0x12010] =	vst v1;
	v1 =	vadd.f32 v6, v2  }
0x9f: {  	v9 =	vld [tilespmem:s6+$0xA000];
	v2 =	vadd.f32 v7, v2  }
.Ltmp2:
0xa0: {  	v6 =	vld [tilespmem:s6+$0x12000];
	[tilespmem:s30+$0xA020] =	vst v1;
	v7 =	vadd.f32 v4, v0;
	(pc) =	sbr.rel @p0 .LBB2_7-.Ltmp2, $4  }
0xa1: {  	v1 =	vld [tilespmem:s6+$0x2010];
	[tilespmem:s30+$0x12020] =	vst v2;
	v0 =	vmov v8  }
0xa2: {  	v4 =	vld [tilespmem:s6+$0xA010];
	v8 =	vadd.f32 v5, v0;
	[tilespmem:s30+$0xA030] =	vst v7;
	s30 =	smov.u32 s6  }
0xa3: {  	v5 =	vld [tilespmem:s30+$0x12010]  }
0xa4: {  	p1 =	por $0x0, $0x0;
	v7 =	vadd.f32 v9, v3;
	v2 =	vld [tilespmem:s30+$0x2020];
	[tilespmem:s30+$0x12030] =	vst v8  }
0xa5: {  	v8 =	vld [tilespmem:s30+$0xA020]  }
0xa6: {  	v9 =	vld [tilespmem:s30+$0x12020]  }
0xa7: {  	v3 =	vadd.f32 v6, v3;
	v6 =	vld [tilespmem:s30+$0xA030]  }
0xa8: {  	[tilespmem:s30+$0xA000] =	vst v7;
	v4 =	vadd.f32 v4, v1  }
0xa9: {  	[tilespmem:s30+$0x12000] =	vst v3;
	v1 =	vadd.f32 v5, v1  }
0xaa: {  	s6 =	simm.s32 $0x1;
	[tilespmem:s30+$0xA010] =	vst v4;
	v3 =	vadd.f32 v8, v2  }
0xab: {  	s6 =	simm.s32 @!p1 $0x0;
	[tilespmem:s30+$0x12010] =	vst v1;
	v1 =	vadd.f32 v9, v2  }
0xac: {  	s6 =	sshll.u32 s6, $0x6;
	v0 =	vadd.f32 v6, v0;
	[tilespmem:s30+$0xA020] =	vst v3  }
0xad: {  	s6 =	sadd.s32 $0x0, s6;
	[tilespmem:s30+$0x12020] =	vst v1  }
0xae: {  	[tilespmem:s30+$0xA030] =	vst v0;
	s30 =	sor.u32 $0xB0, s6  }
0xaf: {  	v0 =	vld [tilespmem:s30+$0x2000]  }
0xb0: {  	s20 =	sor.u32 $0x80, s6;
	v4 =	vld [tilespmem:s30+$0x12000]  }
0xb1: {  	v2 =	vld [tilespmem:s20+$0x2000]  }
0xb2: {  	v6 =	vld [tilespmem:s20+$0xA000]  }
0xb3: {  	s21 =	sor.u32 $0x90, s6;
	v5 =	vld [tilespmem:s20+$0x12000]  }
0xb4: {  	v1 =	vld [tilespmem:s21+$0x2000]  }
0xb5: {  	v3 =	vld [tilespmem:s21+$0xA000]  }
0xb6: {  	s24 =	simm.s32 $0x0;
	p0 =	por !p1, !p1;
	s23 =	sor.u32 $0xA0, s6;
	v7 =	vadd.f32 v4, v0;
	v4 =	vld [tilespmem:s21+$0x12000]  }
.LBB2_9:
0xb7: {  	s6 =	simm.s32 $0x1  }
0xb8: {  	v6 =	vadd.f32 v6, v2;
	v8 =	vld [tilespmem:s23+$0x2000];
	[tilespmem:s30+$0x12000] =	vst v7;
	s6 =	simm.s32 @!p0 $0x0  }
0xb9: {  	s24 =	sadd.s32 $0x40, s24;
	s25 =	sadd.s32 $0x80, s25;
	v2 =	vadd.f32 v5, v2;
	s6 =	sshll.u32 s6, $0x6;
	v5 =	vld [tilespmem:s23+$0xA000]  }
0xba: {  	p1 =	slt.u32 s24, $0xFC0;
	s6 =	sadd.s32 s6, s25;
	[tilespmem:s20+$0xA000] =	vst v6;
	v7 =	vld [tilespmem:s23+$0x12000]  }
0xbb: {  	s13 =	sor.u32 $0x90, s6;
	s14 =	sor.u32 $0xB0, s6;
	[tilespmem:s20+$0x12000] =	vst v2;
	s20 =	sor.u32 $0x80, s6;
	v2 =	vadd.f32 v3, v1;
	v3 =	vld [tilespmem:s30+$0xA000]  }
0xbc: {  	s6 =	sor.u32 $0xA0, s6;
	v1 =	vadd.f32 v4, v1;
	v9 =	vld [tilespmem:s14+$0x2000]  }
0xbd: {  	v4 =	vld [tilespmem:s14+$0x12000];
	[tilespmem:s21+$0xA000] =	vst v2  }
0xbe: {  	v2 =	vld [tilespmem:s20+$0x2000];
	[tilespmem:s21+$0x12000] =	vst v1;
	v1 =	vadd.f32 v5, v8;
	s21 =	smov.u32 s13  }
.Ltmp3:
0xbf: {  	v6 =	vld [tilespmem:s20+$0xA000];
	v7 =	vadd.f32 v7, v8;
	(pc) =	sbr.rel @p1 .LBB2_9-.Ltmp3, $4  }
0xc0: {  	v5 =	vld [tilespmem:s20+$0x12000];
	[tilespmem:s23+$0xA000] =	vst v1;
	v8 =	vadd.f32 v3, v0  }
0xc1: {  	v1 =	vld [tilespmem:s21+$0x2000];
	[tilespmem:s23+$0x12000] =	vst v7;
	v0 =	vmov v9;
	s23 =	smov.u32 s6  }
0xc2: {  	v3 =	vld [tilespmem:s21+$0xA000];
	v7 =	vadd.f32 v4, v0;
	[tilespmem:s30+$0xA000] =	vst v8;
	s30 =	smov.u32 s14  }
0xc3: {  	p0 =	por !p0, !p0;
	v4 =	vld [tilespmem:s21+$0x12000]  }
0xc4: {  	v8 =	vld [tilespmem:s23+$0x2000]  }
0xc5: {  	v9 =	vld [tilespmem:s23+$0xA000]  }
0xc6: {  	v6 =	vadd.f32 v6, v2;
	[tilespmem:s30+$0x12000] =	vst v7;
	v7 =	vld [tilespmem:s23+$0x12000]  }
0xc7: {  	v2 =	vadd.f32 v5, v2;
	v5 =	vld [tilespmem:s30+$0xA000]  }
0xc8: {  	[tilespmem:s20+$0xA000] =	vst v6;
	v3 =	vadd.f32 v3, v1  }
0xc9: {  	[tilespmem:s20+$0x12000] =	vst v2;
	v1 =	vadd.f32 v4, v1  }
0xca: {  	[tilespmem:s21+$0xA000] =	vst v3;
	v2 =	vadd.f32 v9, v8  }
0xcb: {  	[tilespmem:s21+$0x12000] =	vst v1;
	v1 =	vadd.f32 v7, v8  }
0xcc: {  	v0 =	vadd.f32 v5, v0;
	[tilespmem:s23+$0xA000] =	vst v2  }
0xcd: {  	[tilespmem:s23+$0x12000] =	vst v1  }
0xce: {  	[tilespmem:s30+$0xA000] =	vst v0  }
0xcf: {  	s6 =	rddreg [dreg:$0xc]  }
0xd0: {  	s13 =	simm.s32 $0xA000;
	s20 =	sor.u32 $0x200020, s12;
	s6 =	sadd.s32 s12, s6  }
0xd1: {  	[hbm4b:s6+s18] =	stream.strided.scatter [tilespmem:s13], [sflag:$0x6], $0x2000, s19, s18, $0x38;
	[tilespmem:$0x18000] =	vst v63  }
0xd2: {  	p0 =	seq.s32 s17, $0xF;
	s21 =	simm.s32 $0x12000;
	s6 =	sadd.s32 s4, s20  }
0xd3: {  	[hbm4b:s6+s18] =	stream.strided.scatter [tilespmem:s21], [sflag:$0x6], $0x2000, s19, s18, $0x38;
	[tilespmem:$0x18000] =	vst v63  }
0xd4: {  	s6 =	simm.s32 @!p0 $0x5  }
0xd5: {  	_ =	swait.ge @!p0 [sflag:s6], $0x2000  }
0xd6: {  	[sflag:s6] =	ssyncset.done @!p0 $0x0  }
0xd7: {  	[sflag:s6] =	ssyncadd.s32 @!p0 $0xFFFFE000  }
0xd8: {  	s11 =	sadd.s32 @!p0 s11, s16;
	s14 =	simm.s32 @!p0 $0x400;
	_ =	swait.ge @!p0 [sflag:s6], $0x2000  }
0xd9: {  	s12 =	sshrl.u32 @!p0 s11, $0x3;
	s11 =	simm.s32 @!p0 $0x0;
	[sflag:s6] =	ssyncset.done @!p0 $0x0  }
0xda: {  	s13 =	simm.s32 @!p0 $0x100;
	[sflag:s6] =	ssyncadd.s32 @!p0 $0xFFFFE000;
	s6 =	sadd.s32 @!p0 s3, s12  }
0xdb: {  	[tilespmem:s11], [sflag:$0x1] =	stream.strided.gather @!p0 [hbm4b:s6+s13], $0x2000, s14, s13, $0x38;
	[tilespmem:$0x18000] =	vst v63  }
0xdc: {  	s11 =	sadd.s32 @!p0 s1, s12;
	s6 =	simm.s32 @!p0 $0x8000  }
0xdd: {  	[tilespmem:s6], [sflag:$0x1] =	stream.strided.gather @!p0 [hbm4b:s11+s13], $0x2000, s14, s13, $0x38;
	[tilespmem:$0x18000] =	vst v63  }
0xde: {  	s20 =	simm.s32 @!p0 $0x10000;
	s6 =	sadd.s32 @!p0 $0x200000, s11  }
0xdf: {  	[tilespmem:s20], [sflag:$0x1] =	stream.strided.gather @!p0 [hbm4b:s6+s13], $0x2000, s14, s13, $0x38;
	[tilespmem:$0x18000] =	vst v63  }
0xe0: {  	_ =	swait.ge [sflag:s22], $0x2000  }
0xe1: {  	[sflag:s22] =	ssyncset.done $0x0  }
0xe2: {  	[sflag:s22] =	ssyncadd.s32 $0xFFFFE000  }
0xe3: {  	_ =	swait.ge [sflag:s22], $0x2000  }
0xe4: {  	[sflag:s22] =	ssyncset.done $0x0  }
0xe5: {  	[sflag:s22] =	ssyncadd.s32 $0xFFFFE000  }
0xe6: {  	s25 =	simm.s32 $0x0;
	s20 =	simm.s32 $0x0;
	_ =	swait.ge [sflag:s22], $0x2000  }
0xe7: {  	s24 =	sand.u32 $0x1F00, s25;
	s23 =	sand.u32 $0x40, s20;
	[sflag:s22] =	ssyncset.done $0x0  }
0xe8: {  	s30 =	sor.u32 s23, s24;
	[sflag:s22] =	ssyncadd.s32 $0xFFFFE000  }
0xe9: {  	v0 =	vld [tilespmem:s30+$0x4030]  }
0xea: {  	v2 =	vld [tilespmem:s30+$0x14030]  }
0xeb: {  	v3 =	vld [tilespmem:s30+$0x4000]  }
0xec: {  	v7 =	vld [tilespmem:s30+$0xC000]  }
0xed: {  	v6 =	vld [tilespmem:s30+$0x14000]  }
0xee: {  	v1 =	vld [tilespmem:s30+$0x4010]  }
0xef: {  	v4 =	vld [tilespmem:s30+$0xC010];
	v8 =	vadd.f32 v2, v0  }
0xf0: {  	v5 =	vld [tilespmem:s30+$0x14010]  }
0xf1: {  	s21 =	simm.s32 $0x0;
	v7 =	vadd.f32 v7, v3;
	v2 =	vld [tilespmem:s30+$0x4020];
	[tilespmem:s30+$0x14030] =	vst v8  }
.LBB2_11:
0xf2: {  	s20 =	sadd.s32 $0x40, s20;
	v3 =	vadd.f32 v6, v3;
	v6 =	vld [tilespmem:s30+$0xC020];
	s21 =	sadd.s32 $0x80, s21  }
0xf3: {  	s6 =	sand.u32 $0x40, s20;
	s13 =	sand.u32 $0x1F00, s21;
	p1 =	slt.u32 s20, $0xFC0;
	[tilespmem:s30+$0xC000] =	vst v7;
	v7 =	vld [tilespmem:s30+$0x14020]  }
0xf4: {  	s6 =	sor.u32 s6, s13;
	[tilespmem:s30+$0x14000] =	vst v3;
	v3 =	vadd.f32 v4, v1;
	v4 =	vld [tilespmem:s30+$0xC030]  }
0xf5: {  	v8 =	vld [tilespmem:s6+$0x4030];
	v1 =	vadd.f32 v5, v1  }
0xf6: {  	v5 =	vld [tilespmem:s6+$0x14030];
	[tilespmem:s30+$0xC010] =	vst v3  }
0xf7: {  	v3 =	vld [tilespmem:s6+$0x4000];
	[tilespmem:s30+$0x14010] =	vst v1;
	v1 =	vadd.f32 v6, v2  }
0xf8: {  	v9 =	vld [tilespmem:s6+$0xC000];
	v2 =	vadd.f32 v7, v2  }
.Ltmp4:
0xf9: {  	v6 =	vld [tilespmem:s6+$0x14000];
	[tilespmem:s30+$0xC020] =	vst v1;
	v7 =	vadd.f32 v4, v0;
	(pc) =	sbr.rel @p1 .LBB2_11-.Ltmp4, $4  }
0xfa: {  	v1 =	vld [tilespmem:s6+$0x4010];
	[tilespmem:s30+$0x14020] =	vst v2;
	v0 =	vmov v8  }
0xfb: {  	v4 =	vld [tilespmem:s6+$0xC010];
	v8 =	vadd.f32 v5, v0;
	[tilespmem:s30+$0xC030] =	vst v7;
	s30 =	smov.u32 s6  }
0xfc: {  	v5 =	vld [tilespmem:s30+$0x14010]  }
0xfd: {  	p2 =	por $0x0, $0x0;
	v7 =	vadd.f32 v9, v3;
	v2 =	vld [tilespmem:s30+$0x4020];
	[tilespmem:s30+$0x14030] =	vst v8  }
0xfe: {  	v8 =	vld [tilespmem:s30+$0xC020]  }
0xff: {  	v9 =	vld [tilespmem:s30+$0x14020]  }
0x100: {  	v3 =	vadd.f32 v6, v3;
	v6 =	vld [tilespmem:s30+$0xC030]  }
0x101: {  	[tilespmem:s30+$0xC000] =	vst v7;
	v4 =	vadd.f32 v4, v1  }
0x102: {  	[tilespmem:s30+$0x14000] =	vst v3;
	v1 =	vadd.f32 v5, v1  }
0x103: {  	s6 =	simm.s32 $0x1;
	[tilespmem:s30+$0xC010] =	vst v4;
	v3 =	vadd.f32 v8, v2  }
0x104: {  	s6 =	simm.s32 @!p2 $0x0;
	[tilespmem:s30+$0x14010] =	vst v1;
	v1 =	vadd.f32 v9, v2  }
0x105: {  	s6 =	sshll.u32 s6, $0x6;
	v0 =	vadd.f32 v6, v0;
	[tilespmem:s30+$0xC020] =	vst v3  }
0x106: {  	s6 =	sadd.s32 $0x0, s6;
	[tilespmem:s30+$0x14020] =	vst v1  }
0x107: {  	[tilespmem:s30+$0xC030] =	vst v0;
	s30 =	sor.u32 $0xB0, s6  }
0x108: {  	v0 =	vld [tilespmem:s30+$0x4000]  }
0x109: {  	s20 =	sor.u32 $0x80, s6;
	v4 =	vld [tilespmem:s30+$0x14000]  }
0x10a: {  	v2 =	vld [tilespmem:s20+$0x4000]  }
0x10b: {  	v6 =	vld [tilespmem:s20+$0xC000]  }
0x10c: {  	s21 =	sor.u32 $0x90, s6;
	v5 =	vld [tilespmem:s20+$0x14000]  }
0x10d: {  	v1 =	vld [tilespmem:s21+$0x4000]  }
0x10e: {  	v3 =	vld [tilespmem:s21+$0xC000]  }
0x10f: {  	s24 =	simm.s32 $0x0;
	p1 =	por !p2, !p2;
	s23 =	sor.u32 $0xA0, s6;
	v7 =	vadd.f32 v4, v0;
	v4 =	vld [tilespmem:s21+$0x14000]  }
.LBB2_13:
0x110: {  	s6 =	simm.s32 $0x1  }
0x111: {  	v6 =	vadd.f32 v6, v2;
	v8 =	vld [tilespmem:s23+$0x4000];
	[tilespmem:s30+$0x14000] =	vst v7;
	s6 =	simm.s32 @!p1 $0x0  }
0x112: {  	s24 =	sadd.s32 $0x40, s24;
	s25 =	sadd.s32 $0x80, s25;
	v2 =	vadd.f32 v5, v2;
	s6 =	sshll.u32 s6, $0x6;
	v5 =	vld [tilespmem:s23+$0xC000]  }
0x113: {  	p2 =	slt.u32 s24, $0xFC0;
	s6 =	sadd.s32 s6, s25;
	[tilespmem:s20+$0xC000] =	vst v6;
	v7 =	vld [tilespmem:s23+$0x14000]  }
0x114: {  	s13 =	sor.u32 $0x90, s6;
	s14 =	sor.u32 $0xB0, s6;
	[tilespmem:s20+$0x14000] =	vst v2;
	s20 =	sor.u32 $0x80, s6;
	v2 =	vadd.f32 v3, v1;
	v3 =	vld [tilespmem:s30+$0xC000]  }
0x115: {  	s6 =	sor.u32 $0xA0, s6;
	v1 =	vadd.f32 v4, v1;
	v9 =	vld [tilespmem:s14+$0x4000]  }
0x116: {  	v4 =	vld [tilespmem:s14+$0x14000];
	[tilespmem:s21+$0xC000] =	vst v2  }
0x117: {  	v2 =	vld [tilespmem:s20+$0x4000];
	[tilespmem:s21+$0x14000] =	vst v1;
	v1 =	vadd.f32 v5, v8;
	s21 =	smov.u32 s13  }
.Ltmp5:
0x118: {  	v6 =	vld [tilespmem:s20+$0xC000];
	v7 =	vadd.f32 v7, v8;
	(pc) =	sbr.rel @p2 .LBB2_13-.Ltmp5, $4  }
0x119: {  	v5 =	vld [tilespmem:s20+$0x14000];
	[tilespmem:s23+$0xC000] =	vst v1;
	v8 =	vadd.f32 v3, v0  }
0x11a: {  	v1 =	vld [tilespmem:s21+$0x4000];
	[tilespmem:s23+$0x14000] =	vst v7;
	v0 =	vmov v9;
	s23 =	smov.u32 s6  }
0x11b: {  	v3 =	vld [tilespmem:s21+$0xC000];
	v7 =	vadd.f32 v4, v0;
	[tilespmem:s30+$0xC000] =	vst v8;
	s30 =	smov.u32 s14  }
0x11c: {  	p1 =	por !p1, !p1;
	v4 =	vld [tilespmem:s21+$0x14000]  }
0x11d: {  	v8 =	vld [tilespmem:s23+$0x4000]  }
0x11e: {  	v9 =	vld [tilespmem:s23+$0xC000]  }
0x11f: {  	v6 =	vadd.f32 v6, v2;
	[tilespmem:s30+$0x14000] =	vst v7;
	v7 =	vld [tilespmem:s23+$0x14000]  }
0x120: {  	v2 =	vadd.f32 v5, v2;
	v5 =	vld [tilespmem:s30+$0xC000]  }
0x121: {  	[tilespmem:s20+$0xC000] =	vst v6;
	v3 =	vadd.f32 v3, v1  }
0x122: {  	[tilespmem:s20+$0x14000] =	vst v2;
	v1 =	vadd.f32 v4, v1  }
0x123: {  	[tilespmem:s21+$0xC000] =	vst v3;
	v2 =	vadd.f32 v9, v8  }
0x124: {  	[tilespmem:s21+$0x14000] =	vst v1;
	v1 =	vadd.f32 v7, v8  }
0x125: {  	v0 =	vadd.f32 v5, v0;
	[tilespmem:s23+$0xC000] =	vst v2  }
0x126: {  	[tilespmem:s23+$0x14000] =	vst v1  }
0x127: {  	s6 =	sadd.s32 s4, s8;
	[tilespmem:s30+$0xC000] =	vst v0  }
0x128: {  	[hbm4b:s6+s18] =	stream.strided.scatter [tilespmem:s26], [sflag:$0x7], $0x2000, s19, s18, $0x38;
	[tilespmem:$0x18000] =	vst v63  }
0x129: {  	s24 =	sadd.s32 s4, s10;
	s6 =	simm.s32 @!p0 $0x6  }
0x12a: {  	[hbm4b:s24+s18] =	stream.strided.scatter [tilespmem:s28], [sflag:$0x7], $0x2000, s19, s18, $0x38;
	[tilespmem:$0x18000] =	vst v63  }
0x12b: {  	_ =	swait.ge @!p0 [sflag:s6], $0x2000  }
0x12c: {  	[sflag:s6] =	ssyncset.done @!p0 $0x0  }
0x12d: {  	[sflag:s6] =	ssyncadd.s32 @!p0 $0xFFFFE000  }
0x12e: {  	s8 =	sor.u32 @!p0 $0x20, s12;
	_ =	swait.ge @!p0 [sflag:s6], $0x2000  }
0x12f: {  	s10 =	simm.s32 @!p0 $0x100;
	s12 =	simm.s32 @!p0 $0x400;
	[sflag:s6] =	ssyncset.done @!p0 $0x0  }
0x130: {  	s13 =	simm.s32 @!p0 $0x2000;
	[sflag:s6] =	ssyncadd.s32 @!p0 $0xFFFFE000;
	s6 =	sadd.s32 @!p0 s3, s8  }
0x131: {  	[tilespmem:s13], [sflag:$0x2] =	stream.strided.gather @!p0 [hbm4b:s6+s10], $0x2000, s12, s10, $0x38;
	[tilespmem:$0x18000] =	vst v63  }
0x132: {  	s6 =	sadd.s32 @!p0 s1, s8;
	s8 =	simm.s32 @!p0 $0xA000  }
0x133: {  	[tilespmem:s8], [sflag:$0x2] =	stream.strided.gather @!p0 [hbm4b:s6+s10], $0x2000, s12, s10, $0x38;
	[tilespmem:$0x18000] =	vst v63  }
0x134: {  	s6 =	sadd.s32 @!p0 $0x200020, s11;
	s8 =	simm.s32 @!p0 $0x12000  }
0x135: {  	[tilespmem:s8], [sflag:$0x2] =	stream.strided.gather @!p0 [hbm4b:s6+s10], $0x2000, s12, s10, $0x38;
	[tilespmem:$0x18000] =	vst v63  }
0x136: {  	_ =	swait.ge [sflag:s5], $0x2000  }
0x137: {  	[sflag:s5] =	ssyncset.done $0x0  }
0x138: {  	[sflag:s5] =	ssyncadd.s32 $0xFFFFE000  }
0x139: {  	_ =	swait.ge [sflag:s5], $0x2000  }
0x13a: {  	[sflag:s5] =	ssyncset.done $0x0  }
0x13b: {  	[sflag:s5] =	ssyncadd.s32 $0xFFFFE000  }
0x13c: {  	s11 =	simm.s32 $0x0;
	s8 =	simm.s32 $0x0;
	_ =	swait.ge [sflag:s5], $0x2000  }
0x13d: {  	s25 =	sand.u32 $0x40, s11;
	s30 =	sand.u32 $0x1F00, s8;
	[sflag:s5] =	ssyncset.done $0x0  }
0x13e: {  	s10 =	sor.u32 s25, s30;
	[sflag:s5] =	ssyncadd.s32 $0xFFFFE000  }
0x13f: {  	v0 =	vld [tilespmem:s10+$0x6030]  }
0x140: {  	v2 =	vld [tilespmem:s10+$0x16030]  }
0x141: {  	v3 =	vld [tilespmem:s10+$0x6000]  }
0x142: {  	v7 =	vld [tilespmem:s10+$0xE000]  }
0x143: {  	v6 =	vld [tilespmem:s10+$0x16000]  }
0x144: {  	v1 =	vld [tilespmem:s10+$0x6010]  }
0x145: {  	v4 =	vld [tilespmem:s10+$0xE010];
	v8 =	vadd.f32 v2, v0  }
0x146: {  	v5 =	vld [tilespmem:s10+$0x16010]  }
0x147: {  	s12 =	simm.s32 $0x0;
	v7 =	vadd.f32 v7, v3;
	v2 =	vld [tilespmem:s10+$0x6020];
	[tilespmem:s10+$0x16030] =	vst v8  }
.LBB2_15:
0x148: {  	s11 =	sadd.s32 $0x40, s11;
	v3 =	vadd.f32 v6, v3;
	v6 =	vld [tilespmem:s10+$0xE020];
	s12 =	sadd.s32 $0x80, s12  }
0x149: {  	s6 =	sand.u32 $0x40, s11;
	s13 =	sand.u32 $0x1F00, s12;
	p0 =	slt.u32 s11, $0xFC0;
	[tilespmem:s10+$0xE000] =	vst v7;
	v7 =	vld [tilespmem:s10+$0x16020]  }
0x14a: {  	s6 =	sor.u32 s6, s13;
	[tilespmem:s10+$0x16000] =	vst v3;
	v3 =	vadd.f32 v4, v1;
	v4 =	vld [tilespmem:s10+$0xE030]  }
0x14b: {  	v8 =	vld [tilespmem:s6+$0x6030];
	v1 =	vadd.f32 v5, v1  }
0x14c: {  	v5 =	vld [tilespmem:s6+$0x16030];
	[tilespmem:s10+$0xE010] =	vst v3  }
0x14d: {  	v3 =	vld [tilespmem:s6+$0x6000];
	[tilespmem:s10+$0x16010] =	vst v1;
	v1 =	vadd.f32 v6, v2  }
0x14e: {  	v9 =	vld [tilespmem:s6+$0xE000];
	v2 =	vadd.f32 v7, v2  }
.Ltmp6:
0x14f: {  	v6 =	vld [tilespmem:s6+$0x16000];
	[tilespmem:s10+$0xE020] =	vst v1;
	v7 =	vadd.f32 v4, v0;
	(pc) =	sbr.rel @p0 .LBB2_15-.Ltmp6, $4  }
0x150: {  	v1 =	vld [tilespmem:s6+$0x6010];
	[tilespmem:s10+$0x16020] =	vst v2;
	v0 =	vmov v8  }
0x151: {  	v4 =	vld [tilespmem:s6+$0xE010];
	v8 =	vadd.f32 v5, v0;
	[tilespmem:s10+$0xE030] =	vst v7;
	s10 =	smov.u32 s6  }
0x152: {  	v5 =	vld [tilespmem:s10+$0x16010]  }
0x153: {  	p1 =	por $0x0, $0x0;
	v7 =	vadd.f32 v9, v3;
	v2 =	vld [tilespmem:s10+$0x6020];
	[tilespmem:s10+$0x16030] =	vst v8  }
0x154: {  	v8 =	vld [tilespmem:s10+$0xE020]  }
0x155: {  	v9 =	vld [tilespmem:s10+$0x16020]  }
0x156: {  	v3 =	vadd.f32 v6, v3;
	v6 =	vld [tilespmem:s10+$0xE030]  }
0x157: {  	[tilespmem:s10+$0xE000] =	vst v7;
	v4 =	vadd.f32 v4, v1  }
0x158: {  	[tilespmem:s10+$0x16000] =	vst v3;
	v1 =	vadd.f32 v5, v1  }
0x159: {  	s6 =	simm.s32 $0x1;
	[tilespmem:s10+$0xE010] =	vst v4;
	v3 =	vadd.f32 v8, v2  }
0x15a: {  	s6 =	simm.s32 @!p1 $0x0;
	[tilespmem:s10+$0x16010] =	vst v1;
	v1 =	vadd.f32 v9, v2  }
0x15b: {  	s6 =	sshll.u32 s6, $0x6;
	v0 =	vadd.f32 v6, v0;
	[tilespmem:s10+$0xE020] =	vst v3  }
0x15c: {  	s6 =	sadd.s32 $0x0, s6;
	[tilespmem:s10+$0x16020] =	vst v1  }
0x15d: {  	[tilespmem:s10+$0xE030] =	vst v0;
	s10 =	sor.u32 $0xB0, s6  }
0x15e: {  	v0 =	vld [tilespmem:s10+$0x6000]  }
0x15f: {  	s11 =	sor.u32 $0x80, s6;
	v4 =	vld [tilespmem:s10+$0x16000]  }
0x160: {  	v2 =	vld [tilespmem:s11+$0x6000]  }
0x161: {  	v6 =	vld [tilespmem:s11+$0xE000]  }
0x162: {  	s12 =	sor.u32 $0x90, s6;
	v5 =	vld [tilespmem:s11+$0x16000]  }
0x163: {  	v1 =	vld [tilespmem:s12+$0x6000]  }
0x164: {  	v3 =	vld [tilespmem:s12+$0xE000]  }
0x165: {  	s21 =	simm.s32 $0x0;
	p0 =	por !p1, !p1;
	s20 =	sor.u32 $0xA0, s6;
	v7 =	vadd.f32 v4, v0;
	v4 =	vld [tilespmem:s12+$0x16000]  }
.LBB2_17:
0x166: {  	s6 =	simm.s32 $0x1  }
0x167: {  	v6 =	vadd.f32 v6, v2;
	v8 =	vld [tilespmem:s20+$0x6000];
	[tilespmem:s10+$0x16000] =	vst v7;
	s6 =	simm.s32 @!p0 $0x0  }
0x168: {  	s21 =	sadd.s32 $0x40, s21;
	s8 =	sadd.s32 $0x80, s8;
	v2 =	vadd.f32 v5, v2;
	s6 =	sshll.u32 s6, $0x6;
	v5 =	vld [tilespmem:s20+$0xE000]  }
0x169: {  	p1 =	slt.u32 s21, $0xFC0;
	s6 =	sadd.s32 s6, s8;
	[tilespmem:s11+$0xE000] =	vst v6;
	v7 =	vld [tilespmem:s20+$0x16000]  }
0x16a: {  	s13 =	sor.u32 $0x90, s6;
	s14 =	sor.u32 $0xB0, s6;
	[tilespmem:s11+$0x16000] =	vst v2;
	s11 =	sor.u32 $0x80, s6;
	v2 =	vadd.f32 v3, v1;
	v3 =	vld [tilespmem:s10+$0xE000]  }
0x16b: {  	s6 =	sor.u32 $0xA0, s6;
	v1 =	vadd.f32 v4, v1;
	v9 =	vld [tilespmem:s14+$0x6000]  }
0x16c: {  	v4 =	vld [tilespmem:s14+$0x16000];
	[tilespmem:s12+$0xE000] =	vst v2  }
0x16d: {  	v2 =	vld [tilespmem:s11+$0x6000];
	[tilespmem:s12+$0x16000] =	vst v1;
	v1 =	vadd.f32 v5, v8;
	s12 =	smov.u32 s13  }
.Ltmp7:
0x16e: {  	v6 =	vld [tilespmem:s11+$0xE000];
	v7 =	vadd.f32 v7, v8;
	(pc) =	sbr.rel @p1 .LBB2_17-.Ltmp7, $4  }
0x16f: {  	v5 =	vld [tilespmem:s11+$0x16000];
	[tilespmem:s20+$0xE000] =	vst v1;
	v8 =	vadd.f32 v3, v0  }
0x170: {  	v1 =	vld [tilespmem:s12+$0x6000];
	[tilespmem:s20+$0x16000] =	vst v7;
	v0 =	vmov v9;
	s20 =	smov.u32 s6  }
0x171: {  	v3 =	vld [tilespmem:s12+$0xE000];
	v7 =	vadd.f32 v4, v0;
	[tilespmem:s10+$0xE000] =	vst v8;
	s10 =	smov.u32 s14  }
0x172: {  	p0 =	por !p0, !p0;
	v4 =	vld [tilespmem:s12+$0x16000]  }
0x173: {  	v8 =	vld [tilespmem:s20+$0x6000]  }
0x174: {  	v9 =	vld [tilespmem:s20+$0xE000]  }
0x175: {  	v6 =	vadd.f32 v6, v2;
	v58 =	vld [tilespmem:s20+$0x16000]  }
0x176: {  	[tilespmem:s10+$0x16000] =	vst v7;
	v60 =	vld [tilespmem:s10+$0xE000];
	v59 =	vadd.f32 v5, v2  }
0x177: {  	[tilespmem:s11+$0xE000] =	vst v6;
	v3 =	vadd.f32 v3, v1  }
0x178: {  	[tilespmem:s11+$0x16000] =	vst v59;
	v61 =	vadd.f32 v4, v1  }
0x179: {  	[tilespmem:s12+$0xE000] =	vst v3;
	v62 =	vadd.f32 v9, v8  }
0x17a: {  	s17 =	sadd.s32 $0x1, s17;
	v63 =	vadd.f32 v58, v8;
	[tilespmem:s12+$0x16000] =	vst v61  }
0x17b: {  	p0 =	sne.s32 s17, $0x10;
	v0 =	vadd.f32 v60, v0;
	[tilespmem:s20+$0xE000] =	vst v62  }
.Ltmp8:
0x17c: {  	[tilespmem:s20+$0x16000] =	vst v63;
	(pc) =	sbr.rel @p0 .LBB2_2-.Ltmp8, $4  }
0x17d: {  	s6 =	sadd.s32 s4, s7;
	[tilespmem:s10+$0xE000] =	vst v0  }
0x17e: {  	[hbm4b:s6+s18] =	stream.strided.scatter [tilespmem:s31], [sflag:$0x8], $0x2000, s19, s18, $0x38;
	[tilespmem:$0x18000] =	vst v63  }
0x17f: {  	s30 =	sadd.s32 s4, s9  }
0x180: {  	[hbm4b:s30+s18] =	stream.strided.scatter [tilespmem:s0], [sflag:$0x8], $0x2000, s19, s18, $0x38;
	[tilespmem:$0x18000] =	vst v63  }
0x181: {  	s6 =	simm.s32 $0x5  }
0x182: {  	_ =	swait.ge [sflag:s6], $0x2000  }
0x183: {  	[sflag:s6] =	ssyncset.done $0x0  }
0x184: {  	[sflag:s6] =	ssyncadd.s32 $0xFFFFE000  }
0x185: {  	_ =	swait.ge [sflag:s6], $0x2000  }
0x186: {  	[sflag:s6] =	ssyncset.done $0x0  }
0x187: {  	s24 =	simm.s32 $0x6;
	[sflag:s6] =	ssyncadd.s32 $0xFFFFE000  }
0x188: {  	_ =	swait.ge [sflag:s24], $0x2000  }
0x189: {  	[sflag:s24] =	ssyncset.done $0x0  }
0x18a: {  	[sflag:s24] =	ssyncadd.s32 $0xFFFFE000  }
0x18b: {  	_ =	swait.ge [sflag:s24], $0x2000  }
0x18c: {  	[sflag:s24] =	ssyncset.done $0x0  }
0x18d: {  	s25 =	simm.s32 $0x7;
	[sflag:s24] =	ssyncadd.s32 $0xFFFFE000  }
0x18e: {  	_ =	swait.ge [sflag:s25], $0x2000  }
0x18f: {  	[sflag:s25] =	ssyncset.done $0x0  }
0x190: {  	[sflag:s25] =	ssyncadd.s32 $0xFFFFE000  }
0x191: {  	_ =	swait.ge [sflag:s25], $0x2000  }
0x192: {  	[sflag:s25] =	ssyncset.done $0x0  }
0x193: {  	s7 =	simm.s32 $0x8;
	[sflag:s25] =	ssyncadd.s32 $0xFFFFE000  }
0x194: {  	_ =	swait.ge [sflag:s7], $0x2000  }
0x195: {  	[sflag:s7] =	ssyncset.done $0x0  }
0x196: {  	[sflag:s7] =	ssyncadd.s32 $0xFFFFE000  }
0x197: {  	_ =	swait.ge [sflag:s7], $0x2000  }
0x198: {  	s8 =	rddreg [dreg:$0xe]  }
0x199: {  	s30 =	rddreg [dreg:$0xd];
	s8 =	sadd.s32 $0x1, s8  }
0x19a: {  	p0 =	sne.s32 s8, s30  }
.Ltmp9:
0x19b: {  	_ = 	snop;
	(pc) =	sbr.rel @p0 .LBB2_1-.Ltmp9, $3  }
0x19c: {  	_ =	sdelay $0x1  }
0x19d: {  	[sflag:s7] =	ssyncset.done $0x0  }
0x19e: {  	[sflag:s7] =	ssyncadd.s32 $0xFFFFE000  }
0x19f: {  	_ =	sfence.sel $0x180000  }
0x1a0: {  	[bflag:$0x0] =	sbarrier.arrive $0xFFFF  }
0x1a1: {  	_ =	strace $0x90000047  }
0x1a2: {  	s0 =	stileid.u32;
	[bflag:$0x2] =	sbarrier.arrive $0xFFFF  }
0x1a3: {  	p0 =	sne.s32 s0, $0x0;
	s0 =	rddreg [dreg:$0x3]  }
0x1a4: {  	s0 =	sadd.s32 @!p0 $0x100000, s0  }
0x1a5: {  	[sflag:s0] =	ssyncadd.tile.s32 @!p0 $0x1;
	_ =	shalt  }
.Lfunc_end2:
_tile_overlayer_lowered:
.L_overlay_start_2:
0x1a6: {  	(tag) =	ssettag $0x2  }
0x1a7: {  	s0 =	rddreg [dreg:$0x0];
	s2 =	stileid.u32  }
0x1a8: {  	s1 =	rddreg [dreg:$0x1];
	p0 =	sne.s32 s2, $0x0  }
0x1a9: {  	s3 =	rddreg [dreg:$0x2];
	[bflag:$0x3] =	sbarrier.arrive $0xFFFF;
	s2 =	simm.s32 @!p0 $0x1C09  }
0x1aa: {  	[timem:s3], [sflag:s2] =	dma.local @!p0 [hbm:s0], s1  }
0x1ab: {  	s0 =	simm.s32 @!p0 $0x9  }
0x1ac: {  	_ =	swait.ge @!p0 [sflag:s0], s1  }
0x1ad: {  	s1 =	ssub.s32 @!p0 $0x0, s1;
	[sflag:s0] =	ssyncset.done @!p0 $0x0  }
0x1ae: {  	[sflag:s0] =	ssyncadd.s32 @!p0 s1  }
0x1af: {  	[bflag:$0x3] =	sbarrier.arrive $0xFFFF  }
0x1b0: {  	_ =	shalt  }

</sc_bundles>
